<compile_context>
chip_gen: v7x
topology: tpu7x:2x2x1
jax: 0.10.2.dev20260603
libtpu: 0.0.44.dev20260713+nightly
codegen_flags: <defaults>
</compile_context>

<pallas_src>
import functools

import jax
import jax.numpy as jnp
from jax import lax
from jax.experimental import pallas as pl
from jax.experimental.pallas import tpu as pltpu
from jax.experimental.pallas import tpu_sc as plsc

N = 10000
E = 320000
DF = 128
DH = 64
DT = 2
EPS = 1e-5

R = 5000
NB = N // R

NC = 2
NS = 16
NW = NC * NS
CS = 128
CH = 80
EPT = CH * CS
E_PAD = NW * EPT
TRASH = N
N_TRASH = 10240
RPT = N_TRASH // NS
FPT = N // NS


def _tc1_body(x_ref, w1t_ref, b1_ref, g1_ref, be1_ref, feat_ref, h_scr, acc):
    p = pl.program_id(0)
    i = pl.program_id(1)

    @pl.when((p == 0) & (i == 0))
    def _init():
        acc[...] = jnp.zeros_like(acc)

    @pl.when(p == 0)
    def _accumulate():
        h = jnp.dot(x_ref[...], w1t_ref[...],
                    preferred_element_type=jnp.float32) + b1_ref[...]
        h_scr[pl.ds(i * R, R), :] = h
        acc[0:1, :] += jnp.sum(h, axis=0, keepdims=True)
        acc[1:2, :] += jnp.sum(h * h, axis=0, keepdims=True)

    @pl.when((p == 1) & (i == 0))
    def _stats():
        mean = acc[0:1, :] * (1.0 / N)
        var = acc[1:2, :] * (1.0 / N) - mean * mean
        acc[2:3, :] = mean
        acc[3:4, :] = lax.rsqrt(var + EPS) * g1_ref[...]

    @pl.when(p == 1)
    def _normalize():
        h = h_scr[pl.ds(i * R, R), :]
        f = (h - acc[2:3, :]) * acc[3:4, :] + be1_ref[...]
        feat_ref[...] = jnp.maximum(f, 0.0)


def _tc1(x, w1t, b1, g1, be1):
    return pl.pallas_call(
        _tc1_body,
        grid=(2, NB),
        in_specs=[
            pl.BlockSpec((R, DF), lambda p, i: ((1 - p) * i, 0)),
            pl.BlockSpec((DF, DH), lambda p, i: (0, 0)),
            pl.BlockSpec((1, DH), lambda p, i: (0, 0)),
            pl.BlockSpec((1, DH), lambda p, i: (0, 0)),
            pl.BlockSpec((1, DH), lambda p, i: (0, 0)),
        ],
        out_specs=pl.BlockSpec((R, DH), lambda p, i: (p * i, 0)),
        out_shape=jax.ShapeDtypeStruct((N, DH), jnp.float32),
        scratch_shapes=[
            pltpu.VMEM((N, DH), jnp.float32),
            pltpu.VMEM((8, DH), jnp.float32),
        ],
    )(x, w1t, b1, g1, be1)


def _sc_body(src_hbm, dst_hbm, feat_hbm, zeros_hbm, out_hbm,
             src_v, dst_v, rows_a, rows_b, agg_sh, feat_sh, sem_a, sem_b):
    c = lax.axis_index("c")
    s = lax.axis_index("s")
    wid = s * NC + c

    pltpu.sync_copy(zeros_hbm, agg_sh.at[pl.ds(s * RPT, RPT)])
    pltpu.sync_copy(feat_hbm.at[pl.ds(s * FPT, FPT)],
                    feat_sh.at[pl.ds(s * FPT, FPT)])
    pltpu.sync_copy(src_hbm.at[wid], src_v)
    pltpu.sync_copy(dst_hbm.at[wid], dst_v)
    plsc.subcore_barrier()

    pltpu.async_copy(feat_sh.at[src_v.at[0]], rows_a, sem_a)

    def body(g, carry):
        j0 = g * 2
        pltpu.make_async_copy(feat_sh.at[src_v.at[j0]], rows_a, sem_a).wait()
        pltpu.async_copy(feat_sh.at[src_v.at[j0 + 1]], rows_b, sem_b)
        pltpu.sync_copy(rows_a, agg_sh.at[dst_v.at[j0]], add=True)
        pltpu.make_async_copy(feat_sh.at[src_v.at[j0 + 1]], rows_b,
                              sem_b).wait()

        @pl.when(j0 + 2 < CH)
        def _():
            pltpu.async_copy(feat_sh.at[src_v.at[j0 + 2]], rows_a, sem_a)

        pltpu.sync_copy(rows_b, agg_sh.at[dst_v.at[j0 + 1]], add=True)
        return carry

    lax.fori_loop(0, CH // 2, body, 0)
    plsc.subcore_barrier()
    pltpu.sync_copy(agg_sh.at[pl.ds(s * RPT, RPT)],
                    out_hbm.at[c, pl.ds(s * RPT, RPT)])


@functools.cache
def _build_sc_scatter():
    return functools.partial(
        pl.kernel,
        out_type=jax.ShapeDtypeStruct((NC, N_TRASH, DH), jnp.float32),
        mesh=plsc.VectorSubcoreMesh(core_axis_name="c", subcore_axis_name="s",
                                    num_cores=NC, num_subcores=NS),
        scratch_types=[
            pltpu.VMEM((CH, CS), jnp.int32),
            pltpu.VMEM((CH, CS), jnp.int32),
            pltpu.VMEM((CS, DH), jnp.float32),
            pltpu.VMEM((CS, DH), jnp.float32),
            pltpu.VMEM_SHARED((N_TRASH, DH), jnp.float32),
            pltpu.VMEM_SHARED((N, DH), jnp.float32),
            pltpu.SemaphoreType.DMA,
            pltpu.SemaphoreType.DMA,
        ],
        compiler_params=pltpu.CompilerParams(use_tc_tiling_on_sc=False),
    )(_sc_body)


def _tc2_body(feat_ref, agg_ref, wct_ref, bc_ref, gc_ref, bec_ref,
              l0t_ref, l0b_ref, l1t_ref, l1b_ref, out_ref, h_scr, acc):
    p = pl.program_id(0)
    i = pl.program_id(1)

    @pl.when((p == 0) & (i == 0))
    def _init():
        acc[...] = jnp.zeros_like(acc)

    @pl.when(p == 0)
    def _accumulate():
        u = feat_ref[...] + agg_ref[0] + agg_ref[1]
        h = jnp.dot(u, wct_ref[...],
                    preferred_element_type=jnp.float32) + bc_ref[...]
        h_scr[pl.ds(i * R, R), :] = h
        acc[0:1, :] += jnp.sum(h, axis=0, keepdims=True)
        acc[1:2, :] += jnp.sum(h * h, axis=0, keepdims=True)

    @pl.when((p == 1) & (i == 0))
    def _stats():
        mean = acc[0:1, :] * (1.0 / N)
        var = acc[1:2, :] * (1.0 / N) - mean * mean
        acc[2:3, :] = mean
        acc[3:4, :] = lax.rsqrt(var + EPS) * gc_ref[...]

    @pl.when(p == 1)
    def _finish():
        h = h_scr[pl.ds(i * R, R), :]
        f2 = jnp.maximum((h - acc[2:3, :]) * acc[3:4, :] + bec_ref[...], 0.0)
        np0 = jnp.dot(feat_ref[...], l0t_ref[...],
                      preferred_element_type=jnp.float32) + l0b_ref[...]
        np1 = jnp.dot(f2, l1t_ref[...],
                      preferred_element_type=jnp.float32) + l1b_ref[...]
        logits = np0 + np1
        m = jnp.max(logits, axis=1, keepdims=True)
        z = logits - m
        out_ref[...] = z - jnp.log(jnp.sum(jnp.exp(z), axis=1, keepdims=True))


def _tc2(feature, agg2, wct, bc, gc, bec, l0t, l0b, l1t, l1b):
    return pl.pallas_call(
        _tc2_body,
        grid=(2, NB),
        in_specs=[
            pl.BlockSpec((R, DH), lambda p, i: (i, 0)),
            pl.BlockSpec((NC, R, DH), lambda p, i: (0, (1 - p) * i, 0)),
            pl.BlockSpec((DH, DH), lambda p, i: (0, 0)),
            pl.BlockSpec((1, DH), lambda p, i: (0, 0)),
            pl.BlockSpec((1, DH), lambda p, i: (0, 0)),
            pl.BlockSpec((1, DH), lambda p, i: (0, 0)),
            pl.BlockSpec((DH, DT), lambda p, i: (0, 0)),
            pl.BlockSpec((1, DT), lambda p, i: (0, 0)),
            pl.BlockSpec((DH, DT), lambda p, i: (0, 0)),
            pl.BlockSpec((1, DT), lambda p, i: (0, 0)),
        ],
        out_specs=pl.BlockSpec((R, DT), lambda p, i: (p * i, 0)),
        out_shape=jax.ShapeDtypeStruct((N, DT), jnp.float32),
        scratch_shapes=[
            pltpu.VMEM((N, DH), jnp.float32),
            pltpu.VMEM((8, DH), jnp.float32),
        ],
    )(feature, agg2, wct, bc, gc, bec, l0t, l0b, l1t, l1b)


def kernel(x, edge_index, batch, W1, b1, g1, be1, Wc, bc, gc, bec,
           lin0_W, lin0_b, lin1_W, lin1_b):
    feature = _tc1(x, W1.T,
                   b1.reshape(1, DH), g1.reshape(1, DH), be1.reshape(1, DH))

    src = edge_index[0].astype(jnp.int32)
    dst = edge_index[1].astype(jnp.int32)
    pad = E_PAD - E
    src_p = jnp.concatenate(
        [src, jnp.zeros((pad,), jnp.int32)]).reshape(NW, CH, CS)
    dst_p = jnp.concatenate(
        [dst, jnp.full((pad,), TRASH, jnp.int32)]).reshape(NW, CH, CS)
    zeros = jnp.zeros((RPT, DH), jnp.float32)
    agg2 = _build_sc_scatter()(src_p, dst_p, feature, zeros)

    return _tc2(feature, agg2, Wc.T,
                bc.reshape(1, DH), gc.reshape(1, DH), bec.reshape(1, DH),
                lin0_W.T, lin0_b.reshape(1, DT),
                lin1_W.T, lin1_b.reshape(1, DT))

# --- scband reference (transcript-rebuilt; emitter-appended) ---
"""Pipeline reference for scband-slide-graph-arch-37666863186371 (READ-ONLY COPY).

The authoritative reference and input builder live on the scoring server;
editing this copy changes nothing except your own understanding.
"""

import jax, jax.numpy as jnp
import numpy as np

N_NODES = 10000
N_EDGES = 320000
D_FEAT = 128
D_HID = 64
D_TGT = 2
BN_EPS = 1e-5


def _linear_bn_relu(h, W, b, gamma, beta):
    # Linear -> BatchNorm1d (training-mode batch stats) -> ReLU
    h = h @ W.T + b
    mean = jnp.mean(h, axis=0)
    var = jnp.var(h, axis=0)  # biased, matches torch BN training normalization
    h = (h - mean) / jnp.sqrt(var + BN_EPS) * gamma + beta
    return jax.nn.relu(h)


def setup_inputs(seed: int = 0) -> dict:
    key = jax.random.key(seed)
    ks = jax.random.split(key, 16)
    x = jax.random.normal(ks[0], (N_NODES, D_FEAT), dtype=jnp.float32)
    edge_index = jax.random.randint(ks[1], (2, N_EDGES), 0, N_NODES, dtype=jnp.int64 if jax.config.jax_enable_x64 else jnp.int32).astype(jnp.int32)
    batch = jnp.zeros((N_NODES,), dtype=jnp.int32)
    # first_h: Linear(128->64) + BN(64) + ReLU
    W1 = jax.random.normal(ks[2], (D_HID, D_FEAT), dtype=jnp.float32) * (1.0 / np.sqrt(D_FEAT))
    b1 = jnp.zeros((D_HID,), dtype=jnp.float32)
    g1 = jnp.ones((D_HID,), dtype=jnp.float32)
    be1 = jnp.zeros((D_HID,), dtype=jnp.float32)
    # GINConv inner nn: Linear(64->64) + BN(64) + ReLU
    Wc = jax.random.normal(ks[3], (D_HID, D_HID), dtype=jnp.float32) * (1.0 / np.sqrt(D_HID))
    bc = jnp.zeros((D_HID,), dtype=jnp.float32)
    gc = jnp.ones((D_HID,), dtype=jnp.float32)
    bec = jnp.zeros((D_HID,), dtype=jnp.float32)
    # per-layer node prediction heads: Linear(64->2)
    lin0_W = jax.random.normal(ks[4], (D_TGT, D_HID), dtype=jnp.float32) * (1.0 / np.sqrt(D_HID))
    lin0_b = jnp.zeros((D_TGT,), dtype=jnp.float32)
    lin1_W = jax.random.normal(ks[5], (D_TGT, D_HID), dtype=jnp.float32) * (1.0 / np.sqrt(D_HID))
    lin1_b = jnp.zeros((D_TGT,), dtype=jnp.float32)
    return {
        "x": x, "edge_index": edge_index, "batch": batch,
        "W1": W1, "b1": b1, "g1": g1, "be1": be1,
        "Wc": Wc, "bc": bc, "gc": gc, "bec": bec,
        "lin0_W": lin0_W, "lin0_b": lin0_b,
        "lin1_W": lin1_W, "lin1_b": lin1_b,
    }


def reference(x, edge_index, batch, W1, b1, g1, be1, Wc, bc, gc, bec, lin0_W, lin0_b, lin1_W, lin1_b):
    # first_h
    feature = _linear_bn_relu(x, W1, b1, g1, be1)
    # layer 0 head
    node_prediction = feature @ lin0_W.T + lin0_b
    # layer 1: GINConv (eps=0): nn((1+eps)*x + sum_{j in N(i)} x_j)
    src = edge_index[0]
    dst = edge_index[1]
    agg = jnp.zeros_like(feature).at[dst].add(feature[src])
    feature = _linear_bn_relu(feature + agg, Wc, bc, gc, bec)
    node_prediction = node_prediction + (feature @ lin1_W.T + lin1_b)
    # dropout p=0.0 is identity
    return jax.nn.log_softmax(node_prediction, axis=1)

if __name__ == "__main__":
    import jax
    _d = setup_inputs()
    print(jax.jit(kernel)(*tuple(_d.values())))

</pallas_src>

<mosaic_0001>
#map = affine_map<(d0, d1) -> (0, 0, 0)>
#map1 = affine_map<(d0, d1) -> (0, 0)>
module attributes {stable_mosaic.version = 14 : i64} {
  func.func @_sc_body(%arg0: i32, %arg1: i32, %arg2: memref<32x80x128xi32, #tpu.memory_space<hbm>>, %arg3: memref<32x80x128xi32, #tpu.memory_space<hbm>>, %arg4: memref<10000x64xf32, #tpu.memory_space<hbm>>, %arg5: memref<640x64xf32, #tpu.memory_space<hbm>>, %arg6: memref<2x10240x64xf32, #tpu.memory_space<hbm>>, %arg7: memref<80x128xi32, #tpu.memory_space<vmem>>, %arg8: memref<80x128xi32, #tpu.memory_space<vmem>>, %arg9: memref<128x64xf32, #tpu.memory_space<vmem>>, %arg10: memref<128x64xf32, #tpu.memory_space<vmem>>, %arg11: memref<10240x64xf32, #tpu.memory_space<vmem_shared>>, %arg12: memref<10000x64xf32, #tpu.memory_space<vmem_shared>>, %arg13: memref<!tpu.dma_semaphore, #tpu.memory_space<semaphore_mem>>, %arg14: memref<!tpu.dma_semaphore, #tpu.memory_space<semaphore_mem>>) attributes {dimension_semantics = [#tpu.dimension_semantics<core_parallel>, #tpu.dimension_semantics<subcore_parallel>], iteration_bounds = array<i64: 2, 16>, scalar_prefetch = 0 : i64, scratch_operands = 8 : i64, tpu.core_type = #tpu.core_type<sc_vector_subcore>, window_params = [{transform_indices = #map}, {transform_indices = #map}, {transform_indices = #map1}, {transform_indices = #map1}, {transform_indices = #map}]} {
    %mul3A = arith.constant 2 : i32
    %mul3A_0 = arith.muli %arg1, %mul3A : i32
    %add3A = arith.addi %mul3A_0, %arg0 : i32
    %mul3A_1 = arith.constant 640 : i32
    %mul3A_2 = arith.muli %arg1, %mul3A_1 : i32
    "tpu.region"() ({
      %run_scoped3A = tpu.sem_alloc : memref<!tpu.dma_semaphore, #tpu.memory_space<semaphore_mem>>
      %dma_start3A_23 = arith.constant 0 : i32
      %dma_start3A_24 = tpu.memref_slice %arg11[%mul3A_2, %dma_start3A_23] : memref<10240x64xf32, #tpu.memory_space<vmem_shared>> -> memref<640x64xf32, #tpu.memory_space<vmem_shared>>
      tpu.enqueue_dma source(%arg5 : memref<640x64xf32, #tpu.memory_space<hbm>>) target(%dma_start3A_24 : memref<640x64xf32, #tpu.memory_space<vmem_shared>>) target_semaphore(%run_scoped3A : memref<!tpu.dma_semaphore, #tpu.memory_space<semaphore_mem>>)
      %dma_wait3A = arith.constant 0 : i32
      %dma_wait3A_25 = tpu.memref_slice %arg11[%mul3A_2, %dma_wait3A] : memref<10240x64xf32, #tpu.memory_space<vmem_shared>> -> memref<640x64xf32, #tpu.memory_space<vmem_shared>>
      tpu.wait_dma2 semaphore(%run_scoped3A : memref<!tpu.dma_semaphore, #tpu.memory_space<semaphore_mem>>) src(%arg5 : memref<640x64xf32, #tpu.memory_space<hbm>>) dst(%dma_wait3A_25 : memref<640x64xf32, #tpu.memory_space<vmem_shared>>)
      tpu.yield
    }) : () -> ()
    %mul3A_3 = arith.constant 625 : i32
    %mul3A_4 = arith.muli %arg1, %mul3A_3 : i32
    %mul3A_5 = arith.constant 625 : i32
    %mul3A_6 = arith.muli %arg1, %mul3A_5 : i32
    "tpu.region"() ({
      %run_scoped3A = tpu.sem_alloc : memref<!tpu.dma_semaphore, #tpu.memory_space<semaphore_mem>>
      %dma_start3A_23 = arith.constant 0 : i32
      %dma_start3A_24 = tpu.memref_slice %arg12[%mul3A_6, %dma_start3A_23] : memref<10000x64xf32, #tpu.memory_space<vmem_shared>> -> memref<625x64xf32, #tpu.memory_space<vmem_shared>>
      %dma_start3A_25 = arith.constant 0 : i32
      %dma_start3A_26 = tpu.memref_slice %arg4[%mul3A_4, %dma_start3A_25] : memref<10000x64xf32, #tpu.memory_space<hbm>> -> memref<625x64xf32, #tpu.memory_space<hbm>>
      tpu.enqueue_dma source(%dma_start3A_26 : memref<625x64xf32, #tpu.memory_space<hbm>>) target(%dma_start3A_24 : memref<625x64xf32, #tpu.memory_space<vmem_shared>>) target_semaphore(%run_scoped3A : memref<!tpu.dma_semaphore, #tpu.memory_space<semaphore_mem>>)
      %dma_wait3A = arith.constant 0 : i32
      %dma_wait3A_27 = tpu.memref_slice %arg12[%mul3A_6, %dma_wait3A] : memref<10000x64xf32, #tpu.memory_space<vmem_shared>> -> memref<625x64xf32, #tpu.memory_space<vmem_shared>>
      %dma_wait3A_28 = arith.constant 0 : i32
      %dma_wait3A_29 = tpu.memref_slice %arg4[%mul3A_4, %dma_wait3A_28] : memref<10000x64xf32, #tpu.memory_space<hbm>> -> memref<625x64xf32, #tpu.memory_space<hbm>>
      tpu.wait_dma2 semaphore(%run_scoped3A : memref<!tpu.dma_semaphore, #tpu.memory_space<semaphore_mem>>) src(%dma_wait3A_29 : memref<625x64xf32, #tpu.memory_space<hbm>>) dst(%dma_wait3A_27 : memref<625x64xf32, #tpu.memory_space<vmem_shared>>)
      tpu.yield
    }) : () -> ()
    "tpu.region"() ({
      %run_scoped3A = tpu.sem_alloc : memref<!tpu.dma_semaphore, #tpu.memory_space<semaphore_mem>>
      %dma_start3A_23 = arith.constant 0 : i32
      %dma_start3A_24 = arith.constant 0 : i32
      %dma_start3A_25 = tpu.memref_slice %arg2[%add3A, %dma_start3A_23, %dma_start3A_24] : memref<32x80x128xi32, #tpu.memory_space<hbm>> -> memref<1x80x128xi32, #tpu.memory_space<hbm>>
      %dma_start3A_26 = tpu.memref_squeeze %dma_start3A_25 : memref<1x80x128xi32, #tpu.memory_space<hbm>> -> memref<80x128xi32, #tpu.memory_space<hbm>>
      %dma_start3A_27 = arith.constant 0 : i32
      %dma_start3A_28 = arith.constant 0 : i32
      %dma_start3A_29 = tpu.memref_slice %arg2[%add3A, %dma_start3A_27, %dma_start3A_28] : memref<32x80x128xi32, #tpu.memory_space<hbm>> -> memref<1x80x128xi32, #tpu.memory_space<hbm>>
      %dma_start3A_30 = tpu.memref_squeeze %dma_start3A_29 : memref<1x80x128xi32, #tpu.memory_space<hbm>> -> memref<80x128xi32, #tpu.memory_space<hbm>>
      tpu.enqueue_dma source(%dma_start3A_30 : memref<80x128xi32, #tpu.memory_space<hbm>>) target(%arg7 : memref<80x128xi32, #tpu.memory_space<vmem>>) target_semaphore(%run_scoped3A : memref<!tpu.dma_semaphore, #tpu.memory_space<semaphore_mem>>)
      %dma_wait3A = arith.constant 0 : i32
      %dma_wait3A_31 = arith.constant 0 : i32
      %dma_wait3A_32 = tpu.memref_slice %arg2[%add3A, %dma_wait3A, %dma_wait3A_31] : memref<32x80x128xi32, #tpu.memory_space<hbm>> -> memref<1x80x128xi32, #tpu.memory_space<hbm>>
      %dma_wait3A_33 = tpu.memref_squeeze %dma_wait3A_32 : memref<1x80x128xi32, #tpu.memory_space<hbm>> -> memref<80x128xi32, #tpu.memory_space<hbm>>
      %dma_wait3A_34 = arith.constant 0 : i32
      %dma_wait3A_35 = arith.constant 0 : i32
      %dma_wait3A_36 = tpu.memref_slice %arg2[%add3A, %dma_wait3A_34, %dma_wait3A_35] : memref<32x80x128xi32, #tpu.memory_space<hbm>> -> memref<1x80x128xi32, #tpu.memory_space<hbm>>
      %dma_wait3A_37 = tpu.memref_squeeze %dma_wait3A_36 : memref<1x80x128xi32, #tpu.memory_space<hbm>> -> memref<80x128xi32, #tpu.memory_space<hbm>>
      tpu.wait_dma2 semaphore(%run_scoped3A : memref<!tpu.dma_semaphore, #tpu.memory_space<semaphore_mem>>) src(%dma_wait3A_37 : memref<80x128xi32, #tpu.memory_space<hbm>>) dst(%arg7 : memref<80x128xi32, #tpu.memory_space<vmem>>)
      tpu.yield
    }) : () -> ()
    "tpu.region"() ({
      %run_scoped3A = tpu.sem_alloc : memref<!tpu.dma_semaphore, #tpu.memory_space<semaphore_mem>>
      %dma_start3A_23 = arith.constant 0 : i32
      %dma_start3A_24 = arith.constant 0 : i32
      %dma_start3A_25 = tpu.memref_slice %arg3[%add3A, %dma_start3A_23, %dma_start3A_24] : memref<32x80x128xi32, #tpu.memory_space<hbm>> -> memref<1x80x128xi32, #tpu.memory_space<hbm>>
      %dma_start3A_26 = tpu.memref_squeeze %dma_start3A_25 : memref<1x80x128xi32, #tpu.memory_space<hbm>> -> memref<80x128xi32, #tpu.memory_space<hbm>>
      %dma_start3A_27 = arith.constant 0 : i32
      %dma_start3A_28 = arith.constant 0 : i32
      %dma_start3A_29 = tpu.memref_slice %arg3[%add3A, %dma_start3A_27, %dma_start3A_28] : memref<32x80x128xi32, #tpu.memory_space<hbm>> -> memref<1x80x128xi32, #tpu.memory_space<hbm>>
      %dma_start3A_30 = tpu.memref_squeeze %dma_start3A_29 : memref<1x80x128xi32, #tpu.memory_space<hbm>> -> memref<80x128xi32, #tpu.memory_space<hbm>>
      tpu.enqueue_dma source(%dma_start3A_30 : memref<80x128xi32, #tpu.memory_space<hbm>>) target(%arg8 : memref<80x128xi32, #tpu.memory_space<vmem>>) target_semaphore(%run_scoped3A : memref<!tpu.dma_semaphore, #tpu.memory_space<semaphore_mem>>)
      %dma_wait3A = arith.constant 0 : i32
      %dma_wait3A_31 = arith.constant 0 : i32
      %dma_wait3A_32 = tpu.memref_slice %arg3[%add3A, %dma_wait3A, %dma_wait3A_31] : memref<32x80x128xi32, #tpu.memory_space<hbm>> -> memref<1x80x128xi32, #tpu.memory_space<hbm>>
      %dma_wait3A_33 = tpu.memref_squeeze %dma_wait3A_32 : memref<1x80x128xi32, #tpu.memory_space<hbm>> -> memref<80x128xi32, #tpu.memory_space<hbm>>
      %dma_wait3A_34 = arith.constant 0 : i32
      %dma_wait3A_35 = arith.constant 0 : i32
      %dma_wait3A_36 = tpu.memref_slice %arg3[%add3A, %dma_wait3A_34, %dma_wait3A_35] : memref<32x80x128xi32, #tpu.memory_space<hbm>> -> memref<1x80x128xi32, #tpu.memory_space<hbm>>
      %dma_wait3A_37 = tpu.memref_squeeze %dma_wait3A_36 : memref<1x80x128xi32, #tpu.memory_space<hbm>> -> memref<80x128xi32, #tpu.memory_space<hbm>>
      tpu.wait_dma2 semaphore(%run_scoped3A : memref<!tpu.dma_semaphore, #tpu.memory_space<semaphore_mem>>) src(%dma_wait3A_37 : memref<80x128xi32, #tpu.memory_space<hbm>>) dst(%arg8 : memref<80x128xi32, #tpu.memory_space<vmem>>)
      tpu.yield
    }) : () -> ()
    %barrier3A = arith.constant 0 : index
    tpu.barrier barrier_id(%barrier3A)
    %dma_start3A = arith.constant 0 : i32
    %dma_start3A_7 = arith.constant 0 : i32
    %dma_start3A_8 = tpu.memref_slice %arg7[%dma_start3A, %dma_start3A_7] : memref<80x128xi32, #tpu.memory_space<vmem>> -> memref<1x128xi32, #tpu.memory_space<vmem>>
    %dma_start3A_9 = tpu.memref_squeeze %dma_start3A_8 : memref<1x128xi32, #tpu.memory_space<vmem>> -> memref<128xi32, #tpu.memory_space<vmem>>
    %dma_start3A_10 = arith.constant 0 : i32
    %dma_start3A_11 = arith.constant 0 : i32
    %dma_start3A_12 = tpu.memref_slice %arg12[%dma_start3A_10, %dma_start3A_11] : memref<10000x64xf32, #tpu.memory_space<vmem_shared>> -> memref<10000x64xf32, #tpu.memory_space<vmem_shared>>
    tpu.enqueue_indirect_dma source(%dma_start3A_12 : memref<10000x64xf32, #tpu.memory_space<vmem_shared>>) target(%arg9 : memref<128x64xf32, #tpu.memory_space<vmem>>) offsets(%dma_start3A_9 : memref<128xi32, #tpu.memory_space<vmem>>) semaphore(%arg13 : memref<!tpu.dma_semaphore, #tpu.memory_space<semaphore_mem>>)
    %scan3A = arith.constant 0 : i32
    %scan3A_13 = arith.constant 0 : i32
    %scan3A_14 = arith.constant 40 : i32
    %scan3A_15 = arith.addi %scan3A_13, %scan3A_14 : i32
    %scan3A_16 = arith.constant 1 : i32
    scf.for %scan3A_23 = %scan3A_13 to %scan3A_15 step %scan3A_16  : i32 {
      %mul3A_24 = arith.constant 2 : i32
      %mul3A_25 = arith.muli %scan3A_23, %mul3A_24 : i32
      %dma_wait3A = arith.constant 0 : i32
      %dma_wait3A_26 = tpu.memref_slice %arg7[%mul3A_25, %dma_wait3A] : memref<80x128xi32, #tpu.memory_space<vmem>> -> memref<1x128xi32, #tpu.memory_space<vmem>>
      %dma_wait3A_27 = tpu.memref_squeeze %dma_wait3A_26 : memref<1x128xi32, #tpu.memory_space<vmem>> -> memref<128xi32, #tpu.memory_space<vmem>>
      %dma_wait3A_28 = arith.constant 0 : i32
      %dma_wait3A_29 = arith.constant 0 : i32
      %dma_wait3A_30 = tpu.memref_slice %arg12[%dma_wait3A_28, %dma_wait3A_29] : memref<10000x64xf32, #tpu.memory_space<vmem_shared>> -> memref<10000x64xf32, #tpu.memory_space<vmem_shared>>
      tpu.wait_indirect_dma semaphore(%arg13 : memref<!tpu.dma_semaphore, #tpu.memory_space<semaphore_mem>>) src(%dma_wait3A_30 : memref<10000x64xf32, #tpu.memory_space<vmem_shared>>) dst(%arg9 : memref<128x64xf32, #tpu.memory_space<vmem>>)
      %add3A_31 = arith.constant 1 : i32
      %add3A_32 = arith.addi %mul3A_25, %add3A_31 : i32
      %dma_start3A_33 = arith.constant 0 : i32
      %dma_start3A_34 = tpu.memref_slice %arg7[%add3A_32, %dma_start3A_33] : memref<80x128xi32, #tpu.memory_space<vmem>> -> memref<1x128xi32, #tpu.memory_space<vmem>>
      %dma_start3A_35 = tpu.memref_squeeze %dma_start3A_34 : memref<1x128xi32, #tpu.memory_space<vmem>> -> memref<128xi32, #tpu.memory_space<vmem>>
      %dma_start3A_36 = arith.constant 0 : i32
      %dma_start3A_37 = arith.constant 0 : i32
      %dma_start3A_38 = tpu.memref_slice %arg12[%dma_start3A_36, %dma_start3A_37] : memref<10000x64xf32, #tpu.memory_space<vmem_shared>> -> memref<10000x64xf32, #tpu.memory_space<vmem_shared>>
      tpu.enqueue_indirect_dma source(%dma_start3A_38 : memref<10000x64xf32, #tpu.memory_space<vmem_shared>>) target(%arg10 : memref<128x64xf32, #tpu.memory_space<vmem>>) offsets(%dma_start3A_35 : memref<128xi32, #tpu.memory_space<vmem>>) semaphore(%arg14 : memref<!tpu.dma_semaphore, #tpu.memory_space<semaphore_mem>>)
      "tpu.region"() ({
        %run_scoped3A = tpu.sem_alloc : memref<!tpu.dma_semaphore, #tpu.memory_space<semaphore_mem>>
        %dma_start3A_53 = arith.constant 0 : i32
        %dma_start3A_54 = tpu.memref_slice %arg8[%mul3A_25, %dma_start3A_53] : memref<80x128xi32, #tpu.memory_space<vmem>> -> memref<1x128xi32, #tpu.memory_space<vmem>>
        %dma_start3A_55 = tpu.memref_squeeze %dma_start3A_54 : memref<1x128xi32, #tpu.memory_space<vmem>> -> memref<128xi32, #tpu.memory_space<vmem>>
        %dma_start3A_56 = arith.constant 0 : i32
        %dma_start3A_57 = arith.constant 0 : i32
        %dma_start3A_58 = tpu.memref_slice %arg11[%dma_start3A_56, %dma_start3A_57] : memref<10240x64xf32, #tpu.memory_space<vmem_shared>> -> memref<10240x64xf32, #tpu.memory_space<vmem_shared>>
        tpu.enqueue_indirect_dma source(%arg9 : memref<128x64xf32, #tpu.memory_space<vmem>>) target(%dma_start3A_58 : memref<10240x64xf32, #tpu.memory_space<vmem_shared>>) offsets(%dma_start3A_55 : memref<128xi32, #tpu.memory_space<vmem>>) semaphore(%run_scoped3A : memref<!tpu.dma_semaphore, #tpu.memory_space<semaphore_mem>>) {add = true}
        %dma_wait3A_59 = arith.constant 0 : i32
        %dma_wait3A_60 = tpu.memref_slice %arg8[%mul3A_25, %dma_wait3A_59] : memref<80x128xi32, #tpu.memory_space<vmem>> -> memref<1x128xi32, #tpu.memory_space<vmem>>
        %dma_wait3A_61 = tpu.memref_squeeze %dma_wait3A_60 : memref<1x128xi32, #tpu.memory_space<vmem>> -> memref<128xi32, #tpu.memory_space<vmem>>
        %dma_wait3A_62 = arith.constant 0 : i32
        %dma_wait3A_63 = arith.constant 0 : i32
        %dma_wait3A_64 = tpu.memref_slice %arg11[%dma_wait3A_62, %dma_wait3A_63] : memref<10240x64xf32, #tpu.memory_space<vmem_shared>> -> memref<10240x64xf32, #tpu.memory_space<vmem_shared>>
        tpu.wait_indirect_dma semaphore(%run_scoped3A : memref<!tpu.dma_semaphore, #tpu.memory_space<semaphore_mem>>) src(%arg9 : memref<128x64xf32, #tpu.memory_space<vmem>>) dst(%dma_wait3A_64 : memref<10240x64xf32, #tpu.memory_space<vmem_shared>>)
        tpu.yield
      }) : () -> ()
      %add3A_39 = arith.constant 1 : i32
      %add3A_40 = arith.addi %mul3A_25, %add3A_39 : i32
      %dma_wait3A_41 = arith.constant 0 : i32
      %dma_wait3A_42 = tpu.memref_slice %arg7[%add3A_40, %dma_wait3A_41] : memref<80x128xi32, #tpu.memory_space<vmem>> -> memref<1x128xi32, #tpu.memory_space<vmem>>
      %dma_wait3A_43 = tpu.memref_squeeze %dma_wait3A_42 : memref<1x128xi32, #tpu.memory_space<vmem>> -> memref<128xi32, #tpu.memory_space<vmem>>
      %dma_wait3A_44 = arith.constant 0 : i32
      %dma_wait3A_45 = arith.constant 0 : i32
      %dma_wait3A_46 = tpu.memref_slice %arg12[%dma_wait3A_44, %dma_wait3A_45] : memref<10000x64xf32, #tpu.memory_space<vmem_shared>> -> memref<10000x64xf32, #tpu.memory_space<vmem_shared>>
      tpu.wait_indirect_dma semaphore(%arg14 : memref<!tpu.dma_semaphore, #tpu.memory_space<semaphore_mem>>) src(%dma_wait3A_46 : memref<10000x64xf32, #tpu.memory_space<vmem_shared>>) dst(%arg10 : memref<128x64xf32, #tpu.memory_space<vmem>>)
      %add3A_47 = arith.constant 2 : i32
      %add3A_48 = arith.addi %mul3A_25, %add3A_47 : i32
      %lt3A = arith.constant 80 : i32
      %lt3A_49 = arith.cmpi slt, %add3A_48, %lt3A : i32
      %convert_element_type3A = arith.extui %lt3A_49 : i1 to i32
      %cond3A = arith.constant 0 : i32
      %cond3A_50 = arith.cmpi ne, %convert_element_type3A, %cond3A : i32
      scf.if %cond3A_50 {
        %add3A_53 = arith.constant 2 : i32
        %add3A_54 = arith.addi %mul3A_25, %add3A_53 : i32
        %dma_start3A_55 = arith.constant 0 : i32
        %dma_start3A_56 = tpu.memref_slice %arg7[%add3A_54, %dma_start3A_55] : memref<80x128xi32, #tpu.memory_space<vmem>> -> memref<1x128xi32, #tpu.memory_space<vmem>>
        %dma_start3A_57 = tpu.memref_squeeze %dma_start3A_56 : memref<1x128xi32, #tpu.memory_space<vmem>> -> memref<128xi32, #tpu.memory_space<vmem>>
        %dma_start3A_58 = arith.constant 0 : i32
        %dma_start3A_59 = arith.constant 0 : i32
        %dma_start3A_60 = tpu.memref_slice %arg12[%dma_start3A_58, %dma_start3A_59] : memref<10000x64xf32, #tpu.memory_space<vmem_shared>> -> memref<10000x64xf32, #tpu.memory_space<vmem_shared>>
        tpu.enqueue_indirect_dma source(%dma_start3A_60 : memref<10000x64xf32, #tpu.memory_space<vmem_shared>>) target(%arg9 : memref<128x64xf32, #tpu.memory_space<vmem>>) offsets(%dma_start3A_57 : memref<128xi32, #tpu.memory_space<vmem>>) semaphore(%arg13 : memref<!tpu.dma_semaphore, #tpu.memory_space<semaphore_mem>>)
      } else {
      }
      %add3A_51 = arith.constant 1 : i32
      %add3A_52 = arith.addi %mul3A_25, %add3A_51 : i32
      "tpu.region"() ({
        %run_scoped3A = tpu.sem_alloc : memref<!tpu.dma_semaphore, #tpu.memory_space<semaphore_mem>>
        %dma_start3A_53 = arith.constant 0 : i32
        %dma_start3A_54 = tpu.memref_slice %arg8[%add3A_52, %dma_start3A_53] : memref<80x128xi32, #tpu.memory_space<vmem>> -> memref<1x128xi32, #tpu.memory_space<vmem>>
        %dma_start3A_55 = tpu.memref_squeeze %dma_start3A_54 : memref<1x128xi32, #tpu.memory_space<vmem>> -> memref<128xi32, #tpu.memory_space<vmem>>
        %dma_start3A_56 = arith.constant 0 : i32
        %dma_start3A_57 = arith.constant 0 : i32
        %dma_start3A_58 = tpu.memref_slice %arg11[%dma_start3A_56, %dma_start3A_57] : memref<10240x64xf32, #tpu.memory_space<vmem_shared>> -> memref<10240x64xf32, #tpu.memory_space<vmem_shared>>
        tpu.enqueue_indirect_dma source(%arg10 : memref<128x64xf32, #tpu.memory_space<vmem>>) target(%dma_start3A_58 : memref<10240x64xf32, #tpu.memory_space<vmem_shared>>) offsets(%dma_start3A_55 : memref<128xi32, #tpu.memory_space<vmem>>) semaphore(%run_scoped3A : memref<!tpu.dma_semaphore, #tpu.memory_space<semaphore_mem>>) {add = true}
        %dma_wait3A_59 = arith.constant 0 : i32
        %dma_wait3A_60 = tpu.memref_slice %arg8[%add3A_52, %dma_wait3A_59] : memref<80x128xi32, #tpu.memory_space<vmem>> -> memref<1x128xi32, #tpu.memory_space<vmem>>
        %dma_wait3A_61 = tpu.memref_squeeze %dma_wait3A_60 : memref<1x128xi32, #tpu.memory_space<vmem>> -> memref<128xi32, #tpu.memory_space<vmem>>
        %dma_wait3A_62 = arith.constant 0 : i32
        %dma_wait3A_63 = arith.constant 0 : i32
        %dma_wait3A_64 = tpu.memref_slice %arg11[%dma_wait3A_62, %dma_wait3A_63] : memref<10240x64xf32, #tpu.memory_space<vmem_shared>> -> memref<10240x64xf32, #tpu.memory_space<vmem_shared>>
        tpu.wait_indirect_dma semaphore(%run_scoped3A : memref<!tpu.dma_semaphore, #tpu.memory_space<semaphore_mem>>) src(%arg10 : memref<128x64xf32, #tpu.memory_space<vmem>>) dst(%dma_wait3A_64 : memref<10240x64xf32, #tpu.memory_space<vmem_shared>>)
        tpu.yield
      }) : () -> ()
    }
    %scan3A_17 = arith.constant 40 : i32
    %barrier3A_18 = arith.constant 0 : index
    tpu.barrier barrier_id(%barrier3A_18)
    %mul3A_19 = arith.constant 640 : i32
    %mul3A_20 = arith.muli %arg1, %mul3A_19 : i32
    %mul3A_21 = arith.constant 640 : i32
    %mul3A_22 = arith.muli %arg1, %mul3A_21 : i32
    "tpu.region"() ({
      %run_scoped3A = tpu.sem_alloc : memref<!tpu.dma_semaphore, #tpu.memory_space<semaphore_mem>>
      %dma_start3A_23 = arith.constant 0 : i32
      %dma_start3A_24 = tpu.memref_slice %arg6[%arg0, %mul3A_22, %dma_start3A_23] : memref<2x10240x64xf32, #tpu.memory_space<hbm>> -> memref<1x640x64xf32, #tpu.memory_space<hbm>>
      %dma_start3A_25 = tpu.memref_squeeze %dma_start3A_24 : memref<1x640x64xf32, #tpu.memory_space<hbm>> -> memref<640x64xf32, #tpu.memory_space<hbm>>
      %dma_start3A_26 = arith.constant 0 : i32
      %dma_start3A_27 = tpu.memref_slice %arg11[%mul3A_20, %dma_start3A_26] : memref<10240x64xf32, #tpu.memory_space<vmem_shared>> -> memref<640x64xf32, #tpu.memory_space<vmem_shared>>
      tpu.enqueue_dma source(%dma_start3A_27 : memref<640x64xf32, #tpu.memory_space<vmem_shared>>) target(%dma_start3A_25 : memref<640x64xf32, #tpu.memory_space<hbm>>) target_semaphore(%run_scoped3A : memref<!tpu.dma_semaphore, #tpu.memory_space<semaphore_mem>>)
      %dma_wait3A = arith.constant 0 : i32
      %dma_wait3A_28 = tpu.memref_slice %arg6[%arg0, %mul3A_22, %dma_wait3A] : memref<2x10240x64xf32, #tpu.memory_space<hbm>> -> memref<1x640x64xf32, #tpu.memory_space<hbm>>
      %dma_wait3A_29 = tpu.memref_squeeze %dma_wait3A_28 : memref<1x640x64xf32, #tpu.memory_space<hbm>> -> memref<640x64xf32, #tpu.memory_space<hbm>>
      %dma_wait3A_30 = arith.constant 0 : i32
      %dma_wait3A_31 = tpu.memref_slice %arg11[%mul3A_20, %dma_wait3A_30] : memref<10240x64xf32, #tpu.memory_space<vmem_shared>> -> memref<640x64xf32, #tpu.memory_space<vmem_shared>>
      tpu.wait_dma2 semaphore(%run_scoped3A : memref<!tpu.dma_semaphore, #tpu.memory_space<semaphore_mem>>) src(%dma_wait3A_31 : memref<640x64xf32, #tpu.memory_space<vmem_shared>>) dst(%dma_wait3A_29 : memref<640x64xf32, #tpu.memory_space<hbm>>)
      tpu.yield
    }) : () -> ()
    return
  }
}

module attributes {stable_mosaic.version = 14 : i64} {
  func.func @_tc1_body(%arg0: i32, %arg1: i32, %arg2: memref<5000x128xf32, #tpu.memory_space<vmem>>, %arg3: memref<128x64xf32, #tpu.memory_space<vmem>>, %arg4: memref<1x64xf32, #tpu.memory_space<vmem>>, %arg5: memref<1x64xf32, #tpu.memory_space<vmem>>, %arg6: memref<1x64xf32, #tpu.memory_space<vmem>>, %arg7: memref<5000x64xf32, #tpu.memory_space<vmem>>, %arg8: memref<10000x64xf32, #tpu.memory_space<vmem>>, %arg9: memref<8x64xf32, #tpu.memory_space<vmem>>) attributes {dimension_semantics = [#tpu.dimension_semantics<arbitrary>, #tpu.dimension_semantics<arbitrary>], iteration_bounds = array<i64: 2, 2>, scalar_prefetch = 0 : i64, scratch_operands = 2 : i64, tpu.core_type = #tpu.core_type<tc>, window_params = [{transform_indices = @transform_0, window_bounds = array<i64: 5000, 128>}, {pipeline_mode = #tpu.pipeline_mode<synchronous>, transform_indices = @transform_1, window_bounds = array<i64: 128, 64>}, {pipeline_mode = #tpu.pipeline_mode<synchronous>, transform_indices = @transform_2, window_bounds = array<i64: 1, 64>}, {pipeline_mode = #tpu.pipeline_mode<synchronous>, transform_indices = @transform_3, window_bounds = array<i64: 1, 64>}, {pipeline_mode = #tpu.pipeline_mode<synchronous>, transform_indices = @transform_4, window_bounds = array<i64: 1, 64>}, {transform_indices = @transform_5, window_bounds = array<i64: 5000, 64>}]} {
    %eq3A = arith.constant 0 : i32
    %eq3A_0 = arith.cmpi eq, %arg0, %eq3A : i32
    %eq3A_1 = arith.constant 0 : i32
    %eq3A_2 = arith.cmpi eq, %arg1, %eq3A_1 : i32
    %and3A = arith.andi %eq3A_0, %eq3A_2 : i1
    %convert_element_type3A = arith.extui %and3A : i1 to i32
    %cond3A = arith.constant 0 : i32
    %cond3A_3 = arith.cmpi ne, %convert_element_type3A, %cond3A : i32
    scf.if %cond3A_3 {
      %broadcast_in_dim3A = arith.constant 0.000000e+00 : f32
      %broadcast_in_dim3A_22 = vector.broadcast %broadcast_in_dim3A : f32 to vector<8x64xf32>
      %swap3A = arith.constant 0 : index
      %swap3A_23 = arith.constant 0 : index
      %swap3A_24 = vector.load %arg9[%swap3A, %swap3A_23] : memref<8x64xf32, #tpu.memory_space<vmem>>, vector<8x64xf32>
      tpu.vector_store %arg9[%swap3A, %swap3A_23], %broadcast_in_dim3A_22 {strides = array<i32>} : memref<8x64xf32, #tpu.memory_space<vmem>>, vector<8x64xf32>,
    } else {
    }
    %eq3A_4 = arith.constant 0 : i32
    %eq3A_5 = arith.cmpi eq, %arg0, %eq3A_4 : i32
    %convert_element_type3A_6 = arith.extui %eq3A_5 : i1 to i32
    %cond3A_7 = arith.constant 0 : i32
    %cond3A_8 = arith.cmpi ne, %convert_element_type3A_6, %cond3A_7 : i32
    scf.if %cond3A_8 {
      %get3A = arith.constant 0 : index
      %get3A_22 = arith.constant 0 : index
      %get3A_23 = vector.load %arg2[%get3A, %get3A_22] : memref<5000x128xf32, #tpu.memory_space<vmem>>, vector<5000x128xf32>
      %get3A_24 = arith.constant 0 : index
      %get3A_25 = arith.constant 0 : index
      %get3A_26 = vector.load %arg3[%get3A_24, %get3A_25] : memref<128x64xf32, #tpu.memory_space<vmem>>, vector<128x64xf32>
      %dot_general3A = arith.constant dense<0.000000e+00> : vector<5000x64xf32>
      %dot_general3A_27 = tpu.matmul %get3A_23, %get3A_26, %dot_general3A {dimension_numbers = #tpu.dot_dimension_numbers<[1], [0], [0], [1], [0, 0, 1, 1], [], []>, transpose_lhs_hint = false} : vector<5000x128xf32>, vector<128x64xf32>, vector<5000x64xf32> -> vector<5000x64xf32>
      %get3A_28 = arith.constant 0 : index
      %get3A_29 = arith.constant 0 : index
      %get3A_30 = vector.load %arg4[%get3A_28, %get3A_29] : memref<1x64xf32, #tpu.memory_space<vmem>>, vector<1x64xf32>
      %add3A = vector.broadcast %get3A_30 : vector<1x64xf32> to vector<5000x64xf32>
      %add3A_31 = arith.addf %dot_general3A_27, %add3A : vector<5000x64xf32>
      %mul3A = arith.constant 5000 : i32
      %mul3A_32 = arith.muli %arg1, %mul3A : i32
      %swap3A = arith.index_cast %mul3A_32 : i32 to index
      %swap3A_33 = arith.constant 0 : index
      %swap3A_34 = vector.load %arg8[%swap3A, %swap3A_33] : memref<10000x64xf32, #tpu.memory_space<vmem>>, vector<5000x64xf32>
      tpu.vector_store %arg8[%swap3A, %swap3A_33], %add3A_31 {strides = array<i32>} : memref<10000x64xf32, #tpu.memory_space<vmem>>, vector<5000x64xf32>,
      %get3A_35 = arith.constant 0 : index
      %get3A_36 = arith.constant 0 : index
      %get3A_37 = vector.load %arg9[%get3A_35, %get3A_36] : memref<8x64xf32, #tpu.memory_space<vmem>>, vector<1x64xf32>
      %reduce_sum3A = arith.constant dense<0.000000e+00> : vector<64xf32>
      %reduce_sum3A_38 = vector.multi_reduction <add>, %add3A_31, %reduce_sum3A [0] : vector<5000x64xf32> to vector<64xf32>
      %broadcast_in_dim3A = vector.shape_cast %reduce_sum3A_38 : vector<64xf32> to vector<1x64xf32>
      %add3A_39 = arith.addf %get3A_37, %broadcast_in_dim3A : vector<1x64xf32>
      %swap3A_40 = arith.constant 0 : index
      %swap3A_41 = arith.constant 0 : index
      %swap3A_42 = vector.load %arg9[%swap3A_40, %swap3A_41] : memref<8x64xf32, #tpu.memory_space<vmem>>, vector<1x64xf32>
      tpu.vector_store %arg9[%swap3A_40, %swap3A_41], %add3A_39 {strides = array<i32>} : memref<8x64xf32, #tpu.memory_space<vmem>>, vector<1x64xf32>,
      %get3A_43 = arith.constant 1 : index
      %get3A_44 = arith.constant 0 : index
      %get3A_45 = vector.load %arg9[%get3A_43, %get3A_44] : memref<8x64xf32, #tpu.memory_space<vmem>>, vector<1x64xf32>
      %mul3A_46 = arith.mulf %add3A_31, %add3A_31 : vector<5000x64xf32>
      %reduce_sum3A_47 = arith.constant dense<0.000000e+00> : vector<64xf32>
      %reduce_sum3A_48 = vector.multi_reduction <add>, %mul3A_46, %reduce_sum3A_47 [0] : vector<5000x64xf32> to vector<64xf32>
      %broadcast_in_dim3A_49 = vector.shape_cast %reduce_sum3A_48 : vector<64xf32> to vector<1x64xf32>
      %add3A_50 = arith.addf %get3A_45, %broadcast_in_dim3A_49 : vector<1x64xf32>
      %swap3A_51 = arith.constant 1 : index
      %swap3A_52 = arith.constant 0 : index
      %swap3A_53 = vector.load %arg9[%swap3A_51, %swap3A_52] : memref<8x64xf32, #tpu.memory_space<vmem>>, vector<1x64xf32>
      tpu.vector_store %arg9[%swap3A_51, %swap3A_52], %add3A_50 {strides = array<i32>} : memref<8x64xf32, #tpu.memory_space<vmem>>, vector<1x64xf32>,
    } else {
    }
    %eq3A_9 = arith.constant 1 : i32
    %eq3A_10 = arith.cmpi eq, %arg0, %eq3A_9 : i32
    %eq3A_11 = arith.constant 0 : i32
    %eq3A_12 = arith.cmpi eq, %arg1, %eq3A_11 : i32
    %and3A_13 = arith.andi %eq3A_10, %eq3A_12 : i1
    %convert_element_type3A_14 = arith.extui %and3A_13 : i1 to i32
    %cond3A_15 = arith.constant 0 : i32
    %cond3A_16 = arith.cmpi ne, %convert_element_type3A_14, %cond3A_15 : i32
    scf.if %cond3A_16 {
      %get3A = arith.constant 0 : index
      %get3A_22 = arith.constant 0 : index
      %get3A_23 = vector.load %arg9[%get3A, %get3A_22] : memref<8x64xf32, #tpu.memory_space<vmem>>, vector<1x64xf32>
      %mul3A = arith.constant 9.99999974E-5 : f32
      %mul3A_24 = vector.broadcast %mul3A : f32 to vector<1x64xf32>
      %mul3A_25 = arith.mulf %get3A_23, %mul3A_24 : vector<1x64xf32>
      %get3A_26 = arith.constant 1 : index
      %get3A_27 = arith.constant 0 : index
      %get3A_28 = vector.load %arg9[%get3A_26, %get3A_27] : memref<8x64xf32, #tpu.memory_space<vmem>>, vector<1x64xf32>
      %mul3A_29 = arith.constant 9.99999974E-5 : f32
      %mul3A_30 = vector.broadcast %mul3A_29 : f32 to vector<1x64xf32>
      %mul3A_31 = arith.mulf %get3A_28, %mul3A_30 : vector<1x64xf32>
      %mul3A_32 = arith.mulf %mul3A_25, %mul3A_25 : vector<1x64xf32>
      %sub3A = arith.subf %mul3A_31, %mul3A_32 : vector<1x64xf32>
      %swap3A = arith.constant 2 : index
      %swap3A_33 = arith.constant 0 : index
      %swap3A_34 = vector.load %arg9[%swap3A, %swap3A_33] : memref<8x64xf32, #tpu.memory_space<vmem>>, vector<1x64xf32>
      tpu.vector_store %arg9[%swap3A, %swap3A_33], %mul3A_25 {strides = array<i32>} : memref<8x64xf32, #tpu.memory_space<vmem>>, vector<1x64xf32>,
      %add3A = arith.constant 9.99999974E-6 : f32
      %add3A_35 = vector.broadcast %add3A : f32 to vector<1x64xf32>
      %add3A_36 = arith.addf %sub3A, %add3A_35 : vector<1x64xf32>
      %rsqrt3A = math.rsqrt %add3A_36 : vector<1x64xf32>
      %get3A_37 = arith.constant 0 : index
      %get3A_38 = arith.constant 0 : index
      %get3A_39 = vector.load %arg5[%get3A_37, %get3A_38] : memref<1x64xf32, #tpu.memory_space<vmem>>, vector<1x64xf32>
      %mul3A_40 = arith.mulf %rsqrt3A, %get3A_39 : vector<1x64xf32>
      %swap3A_41 = arith.constant 3 : index
      %swap3A_42 = arith.constant 0 : index
      %swap3A_43 = vector.load %arg9[%swap3A_41, %swap3A_42] : memref<8x64xf32, #tpu.memory_space<vmem>>, vector<1x64xf32>
      tpu.vector_store %arg9[%swap3A_41, %swap3A_42], %mul3A_40 {strides = array<i32>} : memref<8x64xf32, #tpu.memory_space<vmem>>, vector<1x64xf32>,
    } else {
    }
    %eq3A_17 = arith.constant 1 : i32
    %eq3A_18 = arith.cmpi eq, %arg0, %eq3A_17 : i32
    %convert_element_type3A_19 = arith.extui %eq3A_18 : i1 to i32
    %cond3A_20 = arith.constant 0 : i32
    %cond3A_21 = arith.cmpi ne, %convert_element_type3A_19, %cond3A_20 : i32
    scf.if %cond3A_21 {
      %mul3A = arith.constant 5000 : i32
      %mul3A_22 = arith.muli %arg1, %mul3A : i32
      %get3A = arith.index_cast %mul3A_22 : i32 to index
      %get3A_23 = arith.constant 0 : index
      %get3A_24 = vector.load %arg8[%get3A, %get3A_23] : memref<10000x64xf32, #tpu.memory_space<vmem>>, vector<5000x64xf32>
      %get3A_25 = arith.constant 2 : index
      %get3A_26 = arith.constant 0 : index
      %get3A_27 = vector.load %arg9[%get3A_25, %get3A_26] : memref<8x64xf32, #tpu.memory_space<vmem>>, vector<1x64xf32>
      %sub3A = vector.broadcast %get3A_27 : vector<1x64xf32> to vector<5000x64xf32>
      %sub3A_28 = arith.subf %get3A_24, %sub3A : vector<5000x64xf32>
      %get3A_29 = arith.constant 3 : index
      %get3A_30 = arith.constant 0 : index
      %get3A_31 = vector.load %arg9[%get3A_29, %get3A_30] : memref<8x64xf32, #tpu.memory_space<vmem>>, vector<1x64xf32>
      %mul3A_32 = vector.broadcast %get3A_31 : vector<1x64xf32> to vector<5000x64xf32>
      %mul3A_33 = arith.mulf %sub3A_28, %mul3A_32 : vector<5000x64xf32>
      %get3A_34 = arith.constant 0 : index
      %get3A_35 = arith.constant 0 : index
      %get3A_36 = vector.load %arg6[%get3A_34, %get3A_35] : memref<1x64xf32, #tpu.memory_space<vmem>>, vector<1x64xf32>
      %add3A = vector.broadcast %get3A_36 : vector<1x64xf32> to vector<5000x64xf32>
      %add3A_37 = arith.addf %mul3A_33, %add3A : vector<5000x64xf32>
      %max3A = arith.constant 0.000000e+00 : f32
      %max3A_38 = vector.broadcast %max3A : f32 to vector<5000x64xf32>
      %max3A_39 = arith.maximumf %add3A_37, %max3A_38 : vector<5000x64xf32>
      %swap3A = arith.constant 0 : index
      %swap3A_40 = arith.constant 0 : index
      %swap3A_41 = vector.load %arg7[%swap3A, %swap3A_40] : memref<5000x64xf32, #tpu.memory_space<vmem>>, vector<5000x64xf32>
      tpu.vector_store %arg7[%swap3A, %swap3A_40], %max3A_39 {strides = array<i32>} : memref<5000x64xf32, #tpu.memory_space<vmem>>, vector<5000x64xf32>,
    } else {
    }
    return
  }
  func.func @transform_0(%arg0: i32, %arg1: i32) -> (i32, i32) {
    %sub3A = arith.constant 1 : i32
    %sub3A_0 = arith.subi %sub3A, %arg0 : i32
    %mul3A = arith.muli %sub3A_0, %arg1 : i32
    %c0_i32 = arith.constant 0 : i32
    %c0_i32_1 = arith.constant 0 : i32
    return %mul3A, %c0_i32 : i32, i32
  }
  func.func @transform_1(%arg0: i32, %arg1: i32) -> (i32, i32) {
    %c0_i32 = arith.constant 0 : i32
    %c0_i32_0 = arith.constant 0 : i32
    %c0_i32_1 = arith.constant 0 : i32
    return %c0_i32, %c0_i32_0 : i32, i32
  }
  func.func @transform_2(%arg0: i32, %arg1: i32) -> (i32, i32) {
    %c0_i32 = arith.constant 0 : i32
    %c0_i32_0 = arith.constant 0 : i32
    %c0_i32_1 = arith.constant 0 : i32
    return %c0_i32, %c0_i32_0 : i32, i32
  }
  func.func @transform_3(%arg0: i32, %arg1: i32) -> (i32, i32) {
    %c0_i32 = arith.constant 0 : i32
    %c0_i32_0 = arith.constant 0 : i32
    %c0_i32_1 = arith.constant 0 : i32
    return %c0_i32, %c0_i32_0 : i32, i32
  }
  func.func @transform_4(%arg0: i32, %arg1: i32) -> (i32, i32) {
    %c0_i32 = arith.constant 0 : i32
    %c0_i32_0 = arith.constant 0 : i32
    %c0_i32_1 = arith.constant 0 : i32
    return %c0_i32, %c0_i32_0 : i32, i32
  }
  func.func @transform_5(%arg0: i32, %arg1: i32) -> (i32, i32) {
    %mul3A = arith.muli %arg0, %arg1 : i32
    %c0_i32 = arith.constant 0 : i32
    %c0_i32_0 = arith.constant 0 : i32
    return %mul3A, %c0_i32 : i32, i32
  }
}

module attributes {stable_mosaic.version = 14 : i64} {
  func.func @_tc2_body(%arg0: i32, %arg1: i32, %arg2: memref<5000x64xf32, #tpu.memory_space<vmem>>, %arg3: memref<2x5000x64xf32, #tpu.memory_space<vmem>>, %arg4: memref<64x64xf32, #tpu.memory_space<vmem>>, %arg5: memref<1x64xf32, #tpu.memory_space<vmem>>, %arg6: memref<1x64xf32, #tpu.memory_space<vmem>>, %arg7: memref<1x64xf32, #tpu.memory_space<vmem>>, %arg8: memref<64x2xf32, #tpu.memory_space<vmem>>, %arg9: memref<1x2xf32, #tpu.memory_space<vmem>>, %arg10: memref<64x2xf32, #tpu.memory_space<vmem>>, %arg11: memref<1x2xf32, #tpu.memory_space<vmem>>, %arg12: memref<5000x2xf32, #tpu.memory_space<vmem>>, %arg13: memref<10000x64xf32, #tpu.memory_space<vmem>>, %arg14: memref<8x64xf32, #tpu.memory_space<vmem>>) attributes {dimension_semantics = [#tpu.dimension_semantics<arbitrary>, #tpu.dimension_semantics<arbitrary>], iteration_bounds = array<i64: 2, 2>, scalar_prefetch = 0 : i64, scratch_operands = 2 : i64, tpu.core_type = #tpu.core_type<tc>, window_params = [{transform_indices = @transform_0, window_bounds = array<i64: 5000, 64>}, {transform_indices = @transform_1, window_bounds = array<i64: 2, 5000, 64>}, {pipeline_mode = #tpu.pipeline_mode<synchronous>, transform_indices = @transform_2, window_bounds = array<i64: 64, 64>}, {pipeline_mode = #tpu.pipeline_mode<synchronous>, transform_indices = @transform_3, window_bounds = array<i64: 1, 64>}, {pipeline_mode = #tpu.pipeline_mode<synchronous>, transform_indices = @transform_4, window_bounds = array<i64: 1, 64>}, {pipeline_mode = #tpu.pipeline_mode<synchronous>, transform_indices = @transform_5, window_bounds = array<i64: 1, 64>}, {pipeline_mode = #tpu.pipeline_mode<synchronous>, transform_indices = @transform_6, window_bounds = array<i64: 64, 2>}, {pipeline_mode = #tpu.pipeline_mode<synchronous>, transform_indices = @transform_7, window_bounds = array<i64: 1, 2>}, {pipeline_mode = #tpu.pipeline_mode<synchronous>, transform_indices = @transform_8, window_bounds = array<i64: 64, 2>}, {pipeline_mode = #tpu.pipeline_mode<synchronous>, transform_indices = @transform_9, window_bounds = array<i64: 1, 2>}, {transform_indices = @transform_10, window_bounds = array<i64: 5000, 2>}]} {
    %eq3A = arith.constant 0 : i32
    %eq3A_0 = arith.cmpi eq, %arg0, %eq3A : i32
    %eq3A_1 = arith.constant 0 : i32
    %eq3A_2 = arith.cmpi eq, %arg1, %eq3A_1 : i32
    %and3A = arith.andi %eq3A_0, %eq3A_2 : i1
    %convert_element_type3A = arith.extui %and3A : i1 to i32
    %cond3A = arith.constant 0 : i32
    %cond3A_3 = arith.cmpi ne, %convert_element_type3A, %cond3A : i32
    scf.if %cond3A_3 {
      %broadcast_in_dim3A = arith.constant 0.000000e+00 : f32
      %broadcast_in_dim3A_22 = vector.broadcast %broadcast_in_dim3A : f32 to vector<8x64xf32>
      %swap3A = arith.constant 0 : index
      %swap3A_23 = arith.constant 0 : index
      %swap3A_24 = vector.load %arg14[%swap3A, %swap3A_23] : memref<8x64xf32, #tpu.memory_space<vmem>>, vector<8x64xf32>
      tpu.vector_store %arg14[%swap3A, %swap3A_23], %broadcast_in_dim3A_22 {strides = array<i32>} : memref<8x64xf32, #tpu.memory_space<vmem>>, vector<8x64xf32>,
    } else {
    }
    %eq3A_4 = arith.constant 0 : i32
    %eq3A_5 = arith.cmpi eq, %arg0, %eq3A_4 : i32
    %convert_element_type3A_6 = arith.extui %eq3A_5 : i1 to i32
    %cond3A_7 = arith.constant 0 : i32
    %cond3A_8 = arith.cmpi ne, %convert_element_type3A_6, %cond3A_7 : i32
    scf.if %cond3A_8 {
      %get3A = arith.constant 0 : index
      %get3A_22 = arith.constant 0 : index
      %get3A_23 = vector.load %arg2[%get3A, %get3A_22] : memref<5000x64xf32, #tpu.memory_space<vmem>>, vector<5000x64xf32>
      %get3A_24 = arith.constant 0 : index
      %get3A_25 = arith.constant 0 : index
      %get3A_26 = arith.constant 0 : index
      %get3A_27 = vector.load %arg3[%get3A_24, %get3A_25, %get3A_26] : memref<2x5000x64xf32, #tpu.memory_space<vmem>>, vector<1x5000x64xf32>
      %get3A_28 = vector.shape_cast %get3A_27 : vector<1x5000x64xf32> to vector<5000x64xf32>
      %add3A = arith.addf %get3A_23, %get3A_28 : vector<5000x64xf32>
      %get3A_29 = arith.constant 1 : index
      %get3A_30 = arith.constant 0 : index
      %get3A_31 = arith.constant 0 : index
      %get3A_32 = vector.load %arg3[%get3A_29, %get3A_30, %get3A_31] : memref<2x5000x64xf32, #tpu.memory_space<vmem>>, vector<1x5000x64xf32>
      %get3A_33 = vector.shape_cast %get3A_32 : vector<1x5000x64xf32> to vector<5000x64xf32>
      %add3A_34 = arith.addf %add3A, %get3A_33 : vector<5000x64xf32>
      %get3A_35 = arith.constant 0 : index
      %get3A_36 = arith.constant 0 : index
      %get3A_37 = vector.load %arg4[%get3A_35, %get3A_36] : memref<64x64xf32, #tpu.memory_space<vmem>>, vector<64x64xf32>
      %dot_general3A = arith.constant dense<0.000000e+00> : vector<5000x64xf32>
      %dot_general3A_38 = tpu.matmul %add3A_34, %get3A_37, %dot_general3A {dimension_numbers = #tpu.dot_dimension_numbers<[1], [0], [0], [1], [0, 0, 1, 1], [], []>, transpose_lhs_hint = false} : vector<5000x64xf32>, vector<64x64xf32>, vector<5000x64xf32> -> vector<5000x64xf32>
      %get3A_39 = arith.constant 0 : index
      %get3A_40 = arith.constant 0 : index
      %get3A_41 = vector.load %arg5[%get3A_39, %get3A_40] : memref<1x64xf32, #tpu.memory_space<vmem>>, vector<1x64xf32>
      %add3A_42 = vector.broadcast %get3A_41 : vector<1x64xf32> to vector<5000x64xf32>
      %add3A_43 = arith.addf %dot_general3A_38, %add3A_42 : vector<5000x64xf32>
      %mul3A = arith.constant 5000 : i32
      %mul3A_44 = arith.muli %arg1, %mul3A : i32
      %swap3A = arith.index_cast %mul3A_44 : i32 to index
      %swap3A_45 = arith.constant 0 : index
      %swap3A_46 = vector.load %arg13[%swap3A, %swap3A_45] : memref<10000x64xf32, #tpu.memory_space<vmem>>, vector<5000x64xf32>
      tpu.vector_store %arg13[%swap3A, %swap3A_45], %add3A_43 {strides = array<i32>} : memref<10000x64xf32, #tpu.memory_space<vmem>>, vector<5000x64xf32>,
      %get3A_47 = arith.constant 0 : index
      %get3A_48 = arith.constant 0 : index
      %get3A_49 = vector.load %arg14[%get3A_47, %get3A_48] : memref<8x64xf32, #tpu.memory_space<vmem>>, vector<1x64xf32>
      %reduce_sum3A = arith.constant dense<0.000000e+00> : vector<64xf32>
      %reduce_sum3A_50 = vector.multi_reduction <add>, %add3A_43, %reduce_sum3A [0] : vector<5000x64xf32> to vector<64xf32>
      %broadcast_in_dim3A = vector.shape_cast %reduce_sum3A_50 : vector<64xf32> to vector<1x64xf32>
      %add3A_51 = arith.addf %get3A_49, %broadcast_in_dim3A : vector<1x64xf32>
      %swap3A_52 = arith.constant 0 : index
      %swap3A_53 = arith.constant 0 : index
      %swap3A_54 = vector.load %arg14[%swap3A_52, %swap3A_53] : memref<8x64xf32, #tpu.memory_space<vmem>>, vector<1x64xf32>
      tpu.vector_store %arg14[%swap3A_52, %swap3A_53], %add3A_51 {strides = array<i32>} : memref<8x64xf32, #tpu.memory_space<vmem>>, vector<1x64xf32>,
      %get3A_55 = arith.constant 1 : index
      %get3A_56 = arith.constant 0 : index
      %get3A_57 = vector.load %arg14[%get3A_55, %get3A_56] : memref<8x64xf32, #tpu.memory_space<vmem>>, vector<1x64xf32>
      %mul3A_58 = arith.mulf %add3A_43, %add3A_43 : vector<5000x64xf32>
      %reduce_sum3A_59 = arith.constant dense<0.000000e+00> : vector<64xf32>
      %reduce_sum3A_60 = vector.multi_reduction <add>, %mul3A_58, %reduce_sum3A_59 [0] : vector<5000x64xf32> to vector<64xf32>
      %broadcast_in_dim3A_61 = vector.shape_cast %reduce_sum3A_60 : vector<64xf32> to vector<1x64xf32>
      %add3A_62 = arith.addf %get3A_57, %broadcast_in_dim3A_61 : vector<1x64xf32>
      %swap3A_63 = arith.constant 1 : index
      %swap3A_64 = arith.constant 0 : index
      %swap3A_65 = vector.load %arg14[%swap3A_63, %swap3A_64] : memref<8x64xf32, #tpu.memory_space<vmem>>, vector<1x64xf32>
      tpu.vector_store %arg14[%swap3A_63, %swap3A_64], %add3A_62 {strides = array<i32>} : memref<8x64xf32, #tpu.memory_space<vmem>>, vector<1x64xf32>,
    } else {
    }
    %eq3A_9 = arith.constant 1 : i32
    %eq3A_10 = arith.cmpi eq, %arg0, %eq3A_9 : i32
    %eq3A_11 = arith.constant 0 : i32
    %eq3A_12 = arith.cmpi eq, %arg1, %eq3A_11 : i32
    %and3A_13 = arith.andi %eq3A_10, %eq3A_12 : i1
    %convert_element_type3A_14 = arith.extui %and3A_13 : i1 to i32
    %cond3A_15 = arith.constant 0 : i32
    %cond3A_16 = arith.cmpi ne, %convert_element_type3A_14, %cond3A_15 : i32
    scf.if %cond3A_16 {
      %get3A = arith.constant 0 : index
      %get3A_22 = arith.constant 0 : index
      %get3A_23 = vector.load %arg14[%get3A, %get3A_22] : memref<8x64xf32, #tpu.memory_space<vmem>>, vector<1x64xf32>
      %mul3A = arith.constant 9.99999974E-5 : f32
      %mul3A_24 = vector.broadcast %mul3A : f32 to vector<1x64xf32>
      %mul3A_25 = arith.mulf %get3A_23, %mul3A_24 : vector<1x64xf32>
      %get3A_26 = arith.constant 1 : index
      %get3A_27 = arith.constant 0 : index
      %get3A_28 = vector.load %arg14[%get3A_26, %get3A_27] : memref<8x64xf32, #tpu.memory_space<vmem>>, vector<1x64xf32>
      %mul3A_29 = arith.constant 9.99999974E-5 : f32
      %mul3A_30 = vector.broadcast %mul3A_29 : f32 to vector<1x64xf32>
      %mul3A_31 = arith.mulf %get3A_28, %mul3A_30 : vector<1x64xf32>
      %mul3A_32 = arith.mulf %mul3A_25, %mul3A_25 : vector<1x64xf32>
      %sub3A = arith.subf %mul3A_31, %mul3A_32 : vector<1x64xf32>
      %swap3A = arith.constant 2 : index
      %swap3A_33 = arith.constant 0 : index
      %swap3A_34 = vector.load %arg14[%swap3A, %swap3A_33] : memref<8x64xf32, #tpu.memory_space<vmem>>, vector<1x64xf32>
      tpu.vector_store %arg14[%swap3A, %swap3A_33], %mul3A_25 {strides = array<i32>} : memref<8x64xf32, #tpu.memory_space<vmem>>, vector<1x64xf32>,
      %add3A = arith.constant 9.99999974E-6 : f32
      %add3A_35 = vector.broadcast %add3A : f32 to vector<1x64xf32>
      %add3A_36 = arith.addf %sub3A, %add3A_35 : vector<1x64xf32>
      %rsqrt3A = math.rsqrt %add3A_36 : vector<1x64xf32>
      %get3A_37 = arith.constant 0 : index
      %get3A_38 = arith.constant 0 : index
      %get3A_39 = vector.load %arg6[%get3A_37, %get3A_38] : memref<1x64xf32, #tpu.memory_space<vmem>>, vector<1x64xf32>
      %mul3A_40 = arith.mulf %rsqrt3A, %get3A_39 : vector<1x64xf32>
      %swap3A_41 = arith.constant 3 : index
      %swap3A_42 = arith.constant 0 : index
      %swap3A_43 = vector.load %arg14[%swap3A_41, %swap3A_42] : memref<8x64xf32, #tpu.memory_space<vmem>>, vector<1x64xf32>
      tpu.vector_store %arg14[%swap3A_41, %swap3A_42], %mul3A_40 {strides = array<i32>} : memref<8x64xf32, #tpu.memory_space<vmem>>, vector<1x64xf32>,
    } else {
    }
    %eq3A_17 = arith.constant 1 : i32
    %eq3A_18 = arith.cmpi eq, %arg0, %eq3A_17 : i32
    %convert_element_type3A_19 = arith.extui %eq3A_18 : i1 to i32
    %cond3A_20 = arith.constant 0 : i32
    %cond3A_21 = arith.cmpi ne, %convert_element_type3A_19, %cond3A_20 : i32
    scf.if %cond3A_21 {
      %mul3A = arith.constant 5000 : i32
      %mul3A_22 = arith.muli %arg1, %mul3A : i32
      %get3A = arith.index_cast %mul3A_22 : i32 to index
      %get3A_23 = arith.constant 0 : index
      %get3A_24 = vector.load %arg13[%get3A, %get3A_23] : memref<10000x64xf32, #tpu.memory_space<vmem>>, vector<5000x64xf32>
      %get3A_25 = arith.constant 2 : index
      %get3A_26 = arith.constant 0 : index
      %get3A_27 = vector.load %arg14[%get3A_25, %get3A_26] : memref<8x64xf32, #tpu.memory_space<vmem>>, vector<1x64xf32>
      %sub3A = vector.broadcast %get3A_27 : vector<1x64xf32> to vector<5000x64xf32>
      %sub3A_28 = arith.subf %get3A_24, %sub3A : vector<5000x64xf32>
      %get3A_29 = arith.constant 3 : index
      %get3A_30 = arith.constant 0 : index
      %get3A_31 = vector.load %arg14[%get3A_29, %get3A_30] : memref<8x64xf32, #tpu.memory_space<vmem>>, vector<1x64xf32>
      %mul3A_32 = vector.broadcast %get3A_31 : vector<1x64xf32> to vector<5000x64xf32>
      %mul3A_33 = arith.mulf %sub3A_28, %mul3A_32 : vector<5000x64xf32>
      %get3A_34 = arith.constant 0 : index
      %get3A_35 = arith.constant 0 : index
      %get3A_36 = vector.load %arg7[%get3A_34, %get3A_35] : memref<1x64xf32, #tpu.memory_space<vmem>>, vector<1x64xf32>
      %add3A = vector.broadcast %get3A_36 : vector<1x64xf32> to vector<5000x64xf32>
      %add3A_37 = arith.addf %mul3A_33, %add3A : vector<5000x64xf32>
      %max3A = arith.constant 0.000000e+00 : f32
      %max3A_38 = vector.broadcast %max3A : f32 to vector<5000x64xf32>
      %max3A_39 = arith.maximumf %add3A_37, %max3A_38 : vector<5000x64xf32>
      %get3A_40 = arith.constant 0 : index
      %get3A_41 = arith.constant 0 : index
      %get3A_42 = vector.load %arg2[%get3A_40, %get3A_41] : memref<5000x64xf32, #tpu.memory_space<vmem>>, vector<5000x64xf32>
      %get3A_43 = arith.constant 0 : index
      %get3A_44 = arith.constant 0 : index
      %get3A_45 = vector.load %arg8[%get3A_43, %get3A_44] : memref<64x2xf32, #tpu.memory_space<vmem>>, vector<64x2xf32>
      %dot_general3A = arith.constant dense<0.000000e+00> : vector<5000x2xf32>
      %dot_general3A_46 = tpu.matmul %get3A_42, %get3A_45, %dot_general3A {dimension_numbers = #tpu.dot_dimension_numbers<[1], [0], [0], [1], [0, 0, 1, 1], [], []>, transpose_lhs_hint = false} : vector<5000x64xf32>, vector<64x2xf32>, vector<5000x2xf32> -> vector<5000x2xf32>
      %get3A_47 = arith.constant 0 : index
      %get3A_48 = arith.constant 0 : index
      %get3A_49 = vector.load %arg9[%get3A_47, %get3A_48] : memref<1x2xf32, #tpu.memory_space<vmem>>, vector<1x2xf32>
      %add3A_50 = vector.broadcast %get3A_49 : vector<1x2xf32> to vector<5000x2xf32>
      %add3A_51 = arith.addf %dot_general3A_46, %add3A_50 : vector<5000x2xf32>
      %get3A_52 = arith.constant 0 : index
      %get3A_53 = arith.constant 0 : index
      %get3A_54 = vector.load %arg10[%get3A_52, %get3A_53] : memref<64x2xf32, #tpu.memory_space<vmem>>, vector<64x2xf32>
      %dot_general3A_55 = arith.constant dense<0.000000e+00> : vector<5000x2xf32>
      %dot_general3A_56 = tpu.matmul %max3A_39, %get3A_54, %dot_general3A_55 {dimension_numbers = #tpu.dot_dimension_numbers<[1], [0], [0], [1], [0, 0, 1, 1], [], []>, transpose_lhs_hint = false} : vector<5000x64xf32>, vector<64x2xf32>, vector<5000x2xf32> -> vector<5000x2xf32>
      %get3A_57 = arith.constant 0 : index
      %get3A_58 = arith.constant 0 : index
      %get3A_59 = vector.load %arg11[%get3A_57, %get3A_58] : memref<1x2xf32, #tpu.memory_space<vmem>>, vector<1x2xf32>
      %add3A_60 = vector.broadcast %get3A_59 : vector<1x2xf32> to vector<5000x2xf32>
      %add3A_61 = arith.addf %dot_general3A_56, %add3A_60 : vector<5000x2xf32>
      %add3A_62 = arith.addf %add3A_51, %add3A_61 : vector<5000x2xf32>
      %reduce_max3A = arith.constant dense<0xFF800000> : vector<5000xf32>
      %reduce_max3A_63 = vector.multi_reduction <maximumf>, %add3A_62, %reduce_max3A [1] : vector<5000x2xf32> to vector<5000xf32>
      %broadcast_in_dim3A = vector.shape_cast %reduce_max3A_63 : vector<5000xf32> to vector<5000x1xf32>
      %sub3A_64 = vector.broadcast %broadcast_in_dim3A : vector<5000x1xf32> to vector<5000x2xf32>
      %sub3A_65 = arith.subf %add3A_62, %sub3A_64 : vector<5000x2xf32>
      %exp3A = math.exp %sub3A_65 : vector<5000x2xf32>
      %reduce_sum3A = arith.constant dense<0.000000e+00> : vector<5000xf32>
      %reduce_sum3A_66 = vector.multi_reduction <add>, %exp3A, %reduce_sum3A [1] : vector<5000x2xf32> to vector<5000xf32>
      %broadcast_in_dim3A_67 = vector.shape_cast %reduce_sum3A_66 : vector<5000xf32> to vector<5000x1xf32>
      %log3A = math.log %broadcast_in_dim3A_67 : vector<5000x1xf32>
      %sub3A_68 = vector.broadcast %log3A : vector<5000x1xf32> to vector<5000x2xf32>
      %sub3A_69 = arith.subf %sub3A_65, %sub3A_68 : vector<5000x2xf32>
      %swap3A = arith.constant 0 : index
      %swap3A_70 = arith.constant 0 : index
      %swap3A_71 = vector.load %arg12[%swap3A, %swap3A_70] : memref<5000x2xf32, #tpu.memory_space<vmem>>, vector<5000x2xf32>
      tpu.vector_store %arg12[%swap3A, %swap3A_70], %sub3A_69 {strides = array<i32>} : memref<5000x2xf32, #tpu.memory_space<vmem>>, vector<5000x2xf32>,
    } else {
    }
    return
  }
  func.func @transform_0(%arg0: i32, %arg1: i32) -> (i32, i32) {
    %c0_i32 = arith.constant 0 : i32
    %c0_i32_0 = arith.constant 0 : i32
    return %arg1, %c0_i32 : i32, i32
  }
  func.func @transform_1(%arg0: i32, %arg1: i32) -> (i32, i32, i32) {
    %sub3A = arith.constant 1 : i32
    %sub3A_0 = arith.subi %sub3A, %arg0 : i32
    %mul3A = arith.muli %sub3A_0, %arg1 : i32
    %c0_i32 = arith.constant 0 : i32
    %c0_i32_1 = arith.constant 0 : i32
    %c0_i32_2 = arith.constant 0 : i32
    return %c0_i32, %mul3A, %c0_i32_1 : i32, i32, i32
  }
  func.func @transform_2(%arg0: i32, %arg1: i32) -> (i32, i32) {
    %c0_i32 = arith.constant 0 : i32
    %c0_i32_0 = arith.constant 0 : i32
    %c0_i32_1 = arith.constant 0 : i32
    return %c0_i32, %c0_i32_0 : i32, i32
  }
  func.func @transform_3(%arg0: i32, %arg1: i32) -> (i32, i32) {
    %c0_i32 = arith.constant 0 : i32
    %c0_i32_0 = arith.constant 0 : i32
    %c0_i32_1 = arith.constant 0 : i32
    return %c0_i32, %c0_i32_0 : i32, i32
  }
  func.func @transform_4(%arg0: i32, %arg1: i32) -> (i32, i32) {
    %c0_i32 = arith.constant 0 : i32
    %c0_i32_0 = arith.constant 0 : i32
    %c0_i32_1 = arith.constant 0 : i32
    return %c0_i32, %c0_i32_0 : i32, i32
  }
  func.func @transform_5(%arg0: i32, %arg1: i32) -> (i32, i32) {
    %c0_i32 = arith.constant 0 : i32
    %c0_i32_0 = arith.constant 0 : i32
    %c0_i32_1 = arith.constant 0 : i32
    return %c0_i32, %c0_i32_0 : i32, i32
  }
  func.func @transform_6(%arg0: i32, %arg1: i32) -> (i32, i32) {
    %c0_i32 = arith.constant 0 : i32
    %c0_i32_0 = arith.constant 0 : i32
    %c0_i32_1 = arith.constant 0 : i32
    return %c0_i32, %c0_i32_0 : i32, i32
  }
  func.func @transform_7(%arg0: i32, %arg1: i32) -> (i32, i32) {
    %c0_i32 = arith.constant 0 : i32
    %c0_i32_0 = arith.constant 0 : i32
    %c0_i32_1 = arith.constant 0 : i32
    return %c0_i32, %c0_i32_0 : i32, i32
  }
  func.func @transform_8(%arg0: i32, %arg1: i32) -> (i32, i32) {
    %c0_i32 = arith.constant 0 : i32
    %c0_i32_0 = arith.constant 0 : i32
    %c0_i32_1 = arith.constant 0 : i32
    return %c0_i32, %c0_i32_0 : i32, i32
  }
  func.func @transform_9(%arg0: i32, %arg1: i32) -> (i32, i32) {
    %c0_i32 = arith.constant 0 : i32
    %c0_i32_0 = arith.constant 0 : i32
    %c0_i32_1 = arith.constant 0 : i32
    return %c0_i32, %c0_i32_0 : i32, i32
  }
  func.func @transform_10(%arg0: i32, %arg1: i32) -> (i32, i32) {
    %mul3A = arith.muli %arg0, %arg1 : i32
    %c0_i32 = arith.constant 0 : i32
    %c0_i32_0 = arith.constant 0 : i32
    return %mul3A, %c0_i32 : i32, i32
  }
}

</mosaic_0001>

<sc_bundles>
// kernel: kernel.5.cloned.1.call-start
scs
__scs_entry_jumppad:
0x0: {  	(pc) =	sbr.rel $0x88, $3  }
0x1: {  	(tag) =	ssettag $0x0;
	lr =	simm.s32 $0x1  }
0x2: {  	[smem:$0x3F93] =	sst lr;
	_ =	strace $0xD0000000  }
0x3: {  	_ = 	snop  }
0x4: {  	_ = 	snop  }
0x5: {  	_ = 	snop  }
0x6: {  	_ = 	snop  }
0x7: {  	_ = 	snop  }
__scs_overlays_trampoline_lowered:
0x8: {  	[smem:$0x3FA2] =	sst s0  }
0x9: {  	[smem:$0x3FA3] =	sst s1  }
0xa: {  	[smem:$0x3FA4] =	sst s2  }
0xb: {  	[smem:$0x3FA5] =	sst s3  }
0xc: {  	[smem:$0x3FA6] =	sst s4  }
0xd: {  	[smem:$0x3FA7] =	sst s5  }
0xe: {  	[smem:$0x3FA8] =	sst s6  }
0xf: {  	[smem:$0x3FA9] =	sst s7  }
0x10: {  	[smem:$0x3FAA] =	sst s8  }
0x11: {  	[smem:$0x3FAB] =	sst s9;
	s0 =	simm.s32 @!p0 $0x0  }
0x12: {  	s1 =	sld [smem:$0x3F91];
	s0 =	simm.s32 @p0 $0x1  }
0x13: {  	[smem:$0x3FAC] =	sst s0;
	s0 =	simm.s32 @!p1 $0x0  }
0x14: {  	s2 =	sld [smem:$0x3F90];
	s0 =	simm.s32 @p1 $0x1  }
0x15: {  	[smem:$0x3FAD] =	sst s0;
	s0 =	simm.s32 @!p2 $0x0  }
0x16: {  	s3 =	sld [smem:$0x3FDB];
	s0 =	simm.s32 @p2 $0x1  }
0x17: {  	s4 =	simm.s32 $0x1BF5;
	[smem:$0x3FAF] =	sst s0  }
0x18: {  	s0 =	sld [smem:$0x3F92];
	_ =	swait.ge [sflag:s4], $0x0  }
0x19: {  	s7 =	sld [smem:$0x3F93]  }
0x1a: {  	s8 =	sadd.s32 $0xFFFFE003, lr  }
0x1b: {  	s9 =	sadd.s32 $0xFFFFFEF7, lr;
	s5 =	simm.s32 $0xFFFFFFFF;
	p2 =	slt.u32 s8, $0xFFFFF086  }
0x1c: {  	p1 =	slt.u32 s9, $0xF7A;
	s5 =	simm.s32 @!p2 $0x0  }
0x1d: {  	s5 =	simm.s32 @p1 $0x1;
	p0 =	seq.s32 s7, s2  }
0x1e: {  	s7 =	smul.u32 @!p0 $0xF7A, s2;
	p2 =	seq.s32 @!p0 s5, $0x0  }
0x1f: {  	s9 =	smul.u32 $0xF7A, s1;
	s8 =	simm.s32 @!p0 $0x1BF5;
	p2 =	por !p2, p0  }
0x20: {  	[sflag:s8] =	ssyncset.s32 @!p0 $0xFFFFF086;
	s6 =	sadd.s32 @!p0 s3, s7;
	s7 =	simm.s32 @!p0 $0x108  }
0x21: {  	s3 =	sadd.s32 s3, s9;
	s6 =	sadd.s32 @!p0 $0x88, s6;
	s7 =	simm.s32 @p2 $0x1082  }
0x22: {  	[simem:s7], [sflag:s8] =	dma.local @!p0 [hbm:s6], $0xF7A  }
0x23: {  	s9 =	sor.u32 $0xD0000000, s2;
	s6 =	simm.s32 $0x108;
	_ =	swait.ge @!p0 [sflag:s8], $0x0  }
0x24: {  	s3 =	sadd.s32 $0x88, s3;
	s6 =	simm.s32 @!p1 $0x1082;
	[sflag:s4] =	ssyncset.s32 $0xFFFFF086  }
0x25: {  	[simem:s6], [sflag:s4] =	dma.local [hbm:s3], $0xF7A  }
0x26: {  	[smem:$0x3F93] =	sst s1;
	(tag) =	ssettag s2;
	_ =	strace s9  }
0x27: {  	s1 =	sld [smem:$0x3FA3]  }
0x28: {  	s2 =	sld [smem:$0x3FA4]  }
0x29: {  	s4 =	sld [smem:$0x3FA6]  }
0x2a: {  	p0 =	seq.s32 s5, $0x0;
	s5 =	sld [smem:$0x3FA7]  }
0x2b: {  	s6 =	sld [smem:$0x3FA8]  }
0x2c: {  	s7 =	sld [smem:$0x3FA9]  }
0x2d: {  	s3 =	simm.s32 $0x108;
	s8 =	sld [smem:$0x3FAA]  }
0x2e: {  	s3 =	simm.s32 @!p0 $0x1082;
	s9 =	sld [smem:$0x3FAB]  }
0x2f: {  	lr =	sadd.s32 s0, s3;
	s0 =	sld [smem:$0x3FA2]  }
0x30: {  	s3 =	sld [smem:$0x3FA5]  }
0x31: {  	[smem:$0x3FAE] =	sst s10  }
0x32: {  	s10 =	sld [smem:$0x3FAC];
	_ =	sdelay $0x3  }
0x33: {  	p0 =	seq.s32 s10, $0x1;
	s10 =	sld [smem:$0x3FAE];
	_ =	sdelay $0x3  }
0x34: {  	[smem:$0x3FAE] =	sst s10  }
0x35: {  	s10 =	sld [smem:$0x3FAD];
	_ =	sdelay $0x3  }
0x36: {  	p1 =	seq.s32 s10, $0x1;
	s10 =	sld [smem:$0x3FAE];
	_ =	sdelay $0x3  }
0x37: {  	[smem:$0x3FAE] =	sst s10  }
0x38: {  	s10 =	sld [smem:$0x3FAF]  }
0x39: {  	_ = 	snop;
	(pc) =	sbr.ind lr, $3  }
0x3a: {  	_ = 	snop  }
0x3b: {  	_ = 	snop  }
0x3c: {  	p2 =	seq.s32 s10, $0x1;
	s10 =	sld [smem:$0x3FAE]  }
0x3d: {  	_ =	shalt  }
0x3e: {  	_ =	shalt  }
0x3f: {  	_ =	shalt  }
0x40: {  	_ =	shalt  }
0x41: {  	_ =	shalt  }
0x42: {  	_ =	shalt  }
0x43: {  	_ =	shalt  }
0x44: {  	_ =	shalt  }
0x45: {  	_ =	shalt  }
0x46: {  	_ =	shalt  }
0x47: {  	_ =	shalt  }
0x48: {  	_ =	shalt  }
0x49: {  	_ =	shalt  }
0x4a: {  	_ =	shalt  }
0x4b: {  	_ =	shalt  }
0x4c: {  	_ =	shalt  }
0x4d: {  	_ =	shalt  }
0x4e: {  	_ =	shalt  }
0x4f: {  	_ =	shalt  }
0x50: {  	_ =	shalt  }
0x51: {  	_ =	shalt  }
0x52: {  	_ =	shalt  }
0x53: {  	_ =	shalt  }
0x54: {  	_ =	shalt  }
0x55: {  	_ =	shalt  }
0x56: {  	_ =	shalt  }
0x57: {  	_ =	shalt  }
0x58: {  	_ =	shalt  }
0x59: {  	_ =	shalt  }
0x5a: {  	_ =	shalt  }
0x5b: {  	_ =	shalt  }
0x5c: {  	_ =	shalt  }
0x5d: {  	_ =	shalt  }
0x5e: {  	_ =	shalt  }
0x5f: {  	_ =	shalt  }
0x60: {  	_ =	shalt  }
0x61: {  	_ =	shalt  }
0x62: {  	_ =	shalt  }
0x63: {  	_ =	shalt  }
0x64: {  	_ =	shalt  }
0x65: {  	_ =	shalt  }
0x66: {  	_ =	shalt  }
0x67: {  	_ =	shalt  }
0x68: {  	_ =	shalt  }
0x69: {  	_ =	shalt  }
0x6a: {  	_ =	shalt  }
0x6b: {  	_ =	shalt  }
0x6c: {  	_ =	shalt  }
0x6d: {  	_ =	shalt  }
0x6e: {  	_ =	shalt  }
0x6f: {  	_ =	shalt  }
0x70: {  	_ =	shalt  }
0x71: {  	_ =	shalt  }
0x72: {  	_ =	shalt  }
0x73: {  	_ =	shalt  }
0x74: {  	_ =	shalt  }
0x75: {  	_ =	shalt  }
0x76: {  	_ =	shalt  }
0x77: {  	_ =	shalt  }
0x78: {  	_ =	shalt  }
0x79: {  	_ =	shalt  }
0x7a: {  	_ =	shalt  }
0x7b: {  	_ =	shalt  }
0x7c: {  	_ =	shalt  }
0x7d: {  	_ =	shalt  }
0x7e: {  	_ =	shalt  }
0x7f: {  	_ =	shalt  }
0x80: {  	_ =	shalt  }
0x81: {  	_ =	shalt  }
0x82: {  	_ =	shalt  }
0x83: {  	_ =	shalt  }
0x84: {  	_ =	shalt  }
0x85: {  	_ =	shalt  }
0x86: {  	_ =	shalt  }
0x87: {  	_ =	shalt  }
.Lfunc_end0:
.L_simem_size_0:
called_computation_lowered:
.L_overlay_start_0:
0x88: {  	s2 =	sld [smem:$0x3FD9]  }
0x89: {  	s3 =	sld [smem:$0x3FFE];
	_ =	sdelay $0x1  }
0x8a: {  	s1 =	srdreg.scid  }
0x8b: {  	s0 =	sand.u32 $0x1, s1  }
0x8c: {  	s16 =	sshll.u32 s0, $0xA;
	s2 =	sadd.s32 s3, s2  }
0x8d: {  	s2 =	sadd.s32 s2, s16  }
0x8e: {  	[smem:$0x3FBA] =	sst s2  }
0x8f: {  	_ = 	snop  }
0x90: {  	(tm) =	ssettm $0x1  }
0x91: {  	s17 =	sld [smem:$0x3FFB];
	_ =	sdelay $0x3  }
0x92: {  	_ =	strace s17  }
0x93: {  	s2 =	sld [smem:$0x3FFC];
	_ =	sdelay $0x3  }
0x94: {  	_ =	strace s2  }
0x95: {  	s2 =	sld [smem:$0x3FFD];
	_ =	sdelay $0x3  }
0x96: {  	_ =	strace s2  }
0x97: {  	_ =	strace $0x8FFFFFFF  }
0x98: {  	s18 =	sld [smem:$0x3FDB];
	_ =	sdelay $0x1  }
0x99: {  	s19 =	simm.s32 $_scs_section_size  }
0x9a: {  	s4 =	simm.s32 $_size__tile_overlayer_lowered;
	s5 =	simm.s32 $_tile_overlayer_lowered  }
0x9b: {  	s22 =	simm.s32 $0x1BFF;
	s21 =	sshll.u32 s5, $0x1;
	s2 =	sadd.s32 s19, s18  }
0x9c: {  	s6 =	simm.s32 $0x0;
	s20 =	sshll.u32 s4, $0x1;
	s4 =	sadd.s32 s21, s2  }
0x9d: {  	[timem:s6], [sflag:s22] =	dma.local [hbm:s4], s20  }
0x9e: {  	_ =	swait.ge [sflag:s22], s20  }
0x9f: {  	s3 =	ssub.s32 $0x0, s20;
	[sflag:s22] =	ssyncset.done $0x0  }
0xa0: {  	[sflag:s22] =	ssyncadd.s32 s3;
	_ =	sdelay $0x1  }
0xa1: {  	s23 =	simm.s32 $0x1B8B  }
0xa2: {  	_ =	swait.ge [sflag:s23], $0x1  }
0xa3: {  	[sflag:s23] =	ssyncset.done $0x0  }
0xa4: {  	s25 =	simm.s32 $0x1B8E;
	s24 =	sld [smem:$0x3FFE];
	[sflag:s23] =	ssyncadd.s32 $0xFFFFFFFF  }
0xa5: {  	s26 =	simm.s32 $execute0_lowered;
	[smem:$0x3FD2] =	sst s25  }
0xa6: {  	s4 =	sshll.u32 s26, $0x1;
	_ =	strace $0x80000046;
	[dreg:$0x1] =	wrdreg $0xFFFFFFFF  }
0xa7: {  	s28 =	simm.s32 $_size_execute0_lowered;
	s2 =	sadd.s32 s2, s4;
	[dreg:$0x0] =	wrdreg $0x0  }
0xa8: {  	s4 =	sshll.u32 s28, $0x1;
	[dreg:$0x2] =	wrdreg s2  }
0xa9: {  	[dreg:$0x3] =	wrdreg s4  }
0xaa: {  	[dreg:$0x4] =	wrdreg $0xC0  }
0xab: {  	_ =	task [dreg:s6], $0x5FFFF  }
0xac: {  	[dreg:$0x1] =	wrdreg $0xFFFFFFFF  }
0xad: {  	[dreg:$0x0] =	wrdreg $0x60  }
0xae: {  	[dreg:$0x2] =	wrdreg s24  }
0xaf: {  	[dreg:$0x3] =	wrdreg $0x90000  }
0xb0: {  	[dreg:$0x4] =	wrdreg $0x130000  }
0xb1: {  	[dreg:$0x5] =	wrdreg $0x9  }
0xb2: {  	_ =	task.clear_ibuf [dreg:s6], $0x6FFFF;
	_ =	strace $0x90000046  }
0xb3: {  	s29 =	simm.s32 $0x9;
	_ =	strace $0x80000048  }
0xb4: {  	_ =	swait.ge [sflag:s29], $0x1  }
0xb5: {  	[sflag:s29] =	ssyncadd.s32 $0xFFFFFFFF  }
0xb6: {  	_ =	strace $0x90000048  }
0xb7: {  	_ =	sfence  }
0xb8: {  	s30 =	sld [smem:$0x0];
	_ =	sdelay $0x2  }
0xb9: {  	s31 =	sshll.u32 s1, $0xD;
	s1 =	sshrl.u32 s1, $0x2  }
0xba: {  	s3 =	sand.u32 $0x4000, s31;
	s1 =	sadd.s32 s1, s30  }
0xbb: {  	s0 =	sor.u32 s3, s0;
	s1 =	sshll.u32 s1, $0x11  }
0xbc: {  	s0 =	sor.u32 s1, s0  }
0xbd: {  	s0 =	sadd.s32 $0x8F2B, s0  }
0xbe: {  	[sflag:s0] =	ssyncadd.remote.s32 $0x1  }
0xbf: {  	_ =	sfence.sel $0xFFFF  }
0xc0: {  	[dreg:$0x0] =	wrdreg $0xFFFFFFFF;
	(pc) =	sbr.abs _section_cstart, $3  }
0xc1: {  	[dreg:$0x1] =	wrdreg $0xFFFFFFFF  }
0xc2: {  	_ =	task.clear_ibuf [dreg:s6], $0x2FFFF;
	_ =	strace $0x9FFFFFFF  }
0xc3: {  	(tm) =	ssettm $0x7FFFFFFF  }
tec
execute0_lowered:
.L_overlay_start_1:
0x0: {  	(tag) =	ssettag $0x1  }
0x1: {  	s6 =	rddreg [dreg:$0x0]  }
0x2: {  	s1 =	srdreg.scid;
	s2 =	rddreg [dreg:$0x1]  }
0x3: {  	s0 =	stileid.u32;
	s3 =	rddreg [dreg:$0x2];
	s4 =	simm.s32 $0x0  }
0x4: {  	s15 =	simm.s32 $0x2800;
	s16 =	simm.s32 $0x80;
	s17 =	simm.s32 $0x5000  }
0x5: {  	s18 =	simm.s32 $0x1;
	s19 =	simm.s32 $0x7000;
	s20 =	simm.s32 $0x2  }
0x6: {  	s21 =	simm.s32 $0x2780;
	s22 =	simm.s32 $0x4F00;
	s23 =	simm.s32 $0x4F80  }
0x7: {  	s24 =	simm.s32 $0x0;
	s5 =	sand.u32 $0x1, s1;
	s8 =	smul.u32 $0x9C40, s0  }
0x8: {  	s28 =	sshll.u32 s0, $0x1;
	s9 =	smul.u32 $0xA000, s0;
	[smem:$0x7FF] =	sst s4  }
0x9: {  	s30 =	sshll.u32 s0, $0x6;
	s1 =	sor.u32 s5, s28;
	s10 =	smul.u32 $0xA0000, s5  }
0xa: {  	s12 =	ssub.s32 $0x2, s5;
	s5 =	sadd.s32 $0x29000, s6;
	s7 =	smul.u32 $0x500, s1  }
0xb: {  	s1 =	rddreg [dreg:$0x3];
	_ =	strace $0x80000047;
	s29 =	sshrl.u32 s8, $0x3  }
0xc: {  	s13 =	sshrl.u32 s12, $0x1;
	s31 =	sadd.s32 s9, s2;
	s14 =	sadd.s32 s8, s3  }
0xd: {  	s10 =	sadd.s32 s9, s10;
	s12 =	ssub.s32 s12, s13;
	s13 =	simm.s32 $0x3  }
0xe: {  	s14 =	sshrl.u32 s14, $0x3;
	s11 =	sadd.s32 s7, s6;
	s10 =	sshrl.u32 s10, $0x3  }
0xf: {  	s7 =	sadd.s32 s29, s6;
	s10 =	sadd.s32 s10, s6;
	s6 =	sor.u32 $0x1C03, s30  }
0x10: {  	s7 =	sadd.s32 $0x1600, s7;
	s8 =	sadd.s32 $0x1F000, s11;
	s9 =	sadd.s32 $0x15000, s11  }
0x11: {  	s11 =	smax.u32 s12, $0x1;
	s12 =	sshrl.u32 s31, $0x3;
	s10 =	sadd.s32 $0x2A400, s10  }
.LBB2_1:
0x12: {  	[spmem:s12], [sflag:s6] =	dma.local [hbm:s5], $0x1400  }
0x13: {  	_ =	swait.ge [sflag:s13], $0x1400  }
0x14: {  	[sflag:s13] =	ssyncset.done $0x0  }
0x15: {  	[sflag:s13] =	ssyncadd.s32 $0xFFFFEC00  }
0x16: {  	[spmem:s14], [sflag:s6] =	dma.local [hbm:s7], $0x1388  }
0x17: {  	_ =	swait.ge [sflag:s13], $0x1388  }
0x18: {  	[sflag:s13] =	ssyncset.done $0x0  }
0x19: {  	[sflag:s13] =	ssyncadd.s32 $0xFFFFEC78  }
0x1a: {  	[tilespmem:s4], [sflag:$0x3] =	stream.linear.gather [hbm4b:s8+s4], $0x2800, $0x38;
	[tilespmem:$0x1CC40] =	vst v63  }
0x1b: {  	_ =	swait.ge [sflag:s13], $0x2800  }
0x1c: {  	[sflag:s13] =	ssyncset.done $0x0  }
0x1d: {  	[sflag:s13] =	ssyncadd.s32 $0xFFFFD800  }
0x1e: {  	[tilespmem:s15], [sflag:$0x3] =	stream.linear.gather [hbm4b:s9+s4], $0x2800, $0x38;
	[tilespmem:$0x1CC40] =	vst v63  }
0x1f: {  	_ =	swait.ge [sflag:s13], $0x2800  }
0x20: {  	[sflag:s13] =	ssyncset.done $0x0  }
0x21: {  	[sflag:s13] =	ssyncadd.s32 $0xFFFFD800  }
0x22: {  	[bflag:$0x0] =	sbarrier.arrive $0xFFFF  }
0x23: {  	[tilespmem:s17], [sflag:$0x1] =	stream.indirect.gather [spmem:s3], $0x40, s4, s16, $0xb8;
	[tilespmem:$0x1CC40] =	vst v63  }
0x24: {  	_ =	swait.ge [sflag:s18], $0x2000  }
0x25: {  	[sflag:s18] =	ssyncset.done $0x0  }
0x26: {  	s25 =	simm.s32 $0x80;
	[sflag:s18] =	ssyncadd.s32 $0xFFFFE000  }
0x27: {  	[tilespmem:s19], [sflag:$0x2] =	stream.indirect.gather [spmem:s3], $0x40, s25, s16, $0xb8;
	[tilespmem:$0x1CC40] =	vst v63  }
0x28: {  	s29 =	simm.s32 $0x2800  }
0x29: {  	[spmem:s2] =	stream.indirect.scatter.add.f32 [tilespmem:s17], [sflag:$0x3], $0x40, s29, s16, $0xb8;
	[tilespmem:$0x1CC40] =	vst v63  }
0x2a: {  	_ =	swait.ge [sflag:s13], $0x2000  }
0x2b: {  	[sflag:s13] =	ssyncset.done $0x0  }
0x2c: {  	[sflag:s13] =	ssyncadd.s32 $0xFFFFE000  }
0x2d: {  	_ =	swait.ge [sflag:s20], $0x2000  }
0x2e: {  	[sflag:s20] =	ssyncset.done $0x0  }
0x2f: {  	s30 =	simm.s32 $0x100;
	[sflag:s20] =	ssyncadd.s32 $0xFFFFE000  }
0x30: {  	[tilespmem:s17], [sflag:$0x1] =	stream.indirect.gather [spmem:s3], $0x40, s30, s16, $0xb8;
	[tilespmem:$0x1CC40] =	vst v63  }
0x31: {  	s31 =	simm.s32 $0x2880  }
0x32: {  	[spmem:s2] =	stream.indirect.scatter.add.f32 [tilespmem:s19], [sflag:$0x3], $0x40, s31, s16, $0xb8;
	[tilespmem:$0x1CC40] =	vst v63  }
0x33: {  	_ =	swait.ge [sflag:s13], $0x2000  }
0x34: {  	s25 =	simm.s32 $0x400;
	[sflag:s13] =	ssyncset.done $0x0  }
.LBB2_2:
0x35: {  	p0 =	sne.s32 s25, $0x9800  }
0x36: {  	[sflag:s13] =	ssyncadd.s32 $0xFFFFE000;
	s26 =	smov.u32 s25;
	s25 =	sadd.s32 $0x400, s25  }
0x37: {  	_ = 	snop  }
0x38: {  	_ =	swait.ge [sflag:s18], $0x2000  }
0x39: {  	s26 =	sshra.s32 s26, $0x2;
	[sflag:s18] =	ssyncset.done $0x0  }
0x3a: {  	s28 =	sadd.s32 $0x80, s26;
	[sflag:s18] =	ssyncadd.s32 $0xFFFFE000  }
0x3b: {  	[tilespmem:s19], [sflag:$0x2] =	stream.indirect.gather [spmem:s3], $0x40, s28, s16, $0xb8;
	[tilespmem:$0x1CC40] =	vst v63  }
0x3c: {  	s28 =	sadd.s32 $0x2800, s26  }
0x3d: {  	[spmem:s2] =	stream.indirect.scatter.add.f32 [tilespmem:s17], [sflag:$0x3], $0x40, s28, s16, $0xb8;
	[tilespmem:$0x1CC40] =	vst v63  }
0x3e: {  	_ =	swait.ge [sflag:s13], $0x2000  }
0x3f: {  	[sflag:s13] =	ssyncset.done $0x0  }
0x40: {  	[sflag:s13] =	ssyncadd.s32 $0xFFFFE000  }
0x41: {  	_ =	swait.ge [sflag:s20], $0x2000  }
0x42: {  	[sflag:s20] =	ssyncset.done $0x0  }
0x43: {  	s28 =	sadd.s32 $0x100, s26;
	[sflag:s20] =	ssyncadd.s32 $0xFFFFE000  }
0x44: {  	[tilespmem:s17], [sflag:$0x1] =	stream.indirect.gather [spmem:s3], $0x40, s28, s16, $0xb8;
	[tilespmem:$0x1CC40] =	vst v63  }
.Ltmp0:
0x45: {  	_ = 	snop;
	(pc) =	sbr.rel @p0 .LBB2_2-.Ltmp0, $4  }
0x46: {  	s26 =	sadd.s32 $0x2880, s26  }
0x47: {  	[spmem:s2] =	stream.indirect.scatter.add.f32 [tilespmem:s19], [sflag:$0x3], $0x40, s26, s16, $0xb8;
	[tilespmem:$0x1CC40] =	vst v63  }
0x48: {  	_ =	swait.ge [sflag:s13], $0x2000  }
0x49: {  	[sflag:s13] =	ssyncset.done $0x0  }
0x4a: {  	[sflag:s13] =	ssyncadd.s32 $0xFFFFE000  }
0x4b: {  	_ =	swait.ge [sflag:s18], $0x2000  }
0x4c: {  	[sflag:s18] =	ssyncset.done $0x0  }
0x4d: {  	[sflag:s18] =	ssyncadd.s32 $0xFFFFE000  }
0x4e: {  	[tilespmem:s19], [sflag:$0x2] =	stream.indirect.gather [spmem:s3], $0x40, s21, s16, $0xb8;
	[tilespmem:$0x1CC40] =	vst v63  }
0x4f: {  	_ = 	snop  }
0x50: {  	[spmem:s2] =	stream.indirect.scatter.add.f32 [tilespmem:s17], [sflag:$0x3], $0x40, s22, s16, $0xb8;
	[tilespmem:$0x1CC40] =	vst v63  }
0x51: {  	_ =	swait.ge [sflag:s13], $0x2000  }
0x52: {  	[sflag:s13] =	ssyncset.done $0x0  }
0x53: {  	[sflag:s13] =	ssyncadd.s32 $0xFFFFE000  }
0x54: {  	_ =	swait.ge [sflag:s20], $0x2000  }
0x55: {  	[sflag:s20] =	ssyncset.done $0x0  }
0x56: {  	[sflag:s20] =	ssyncadd.s32 $0xFFFFE000  }
0x57: {  	[spmem:s2] =	stream.indirect.scatter.add.f32 [tilespmem:s19], [sflag:$0x3], $0x40, s23, s16, $0xb8;
	[tilespmem:$0x1CC40] =	vst v63  }
0x58: {  	_ =	swait.ge [sflag:s13], $0x2000  }
0x59: {  	s24 =	sadd.s32 $0x1, s24;
	[sflag:s13] =	ssyncset.done $0x0  }
0x5a: {  	p0 =	sne.s32 s24, s11;
	[sflag:s13] =	ssyncadd.s32 $0xFFFFE000  }
.Ltmp1:
0x5b: {  	[bflag:$0x0] =	sbarrier.arrive $0xFFFF;
	(pc) =	sbr.rel @p0 .LBB2_1-.Ltmp1, $4  }
0x5c: {  	[hbm:s10], [sflag:s6] =	dma.local [spmem:s12], $0x1400  }
0x5d: {  	_ =	swait.ge [sflag:s13], $0x1400  }
0x5e: {  	[sflag:s13] =	ssyncset.done $0x0  }
0x5f: {  	[sflag:s13] =	ssyncadd.s32 $0xFFFFEC00  }
0x60: {  	_ =	sfence.sel $0x180000  }
0x61: {  	[bflag:$0x0] =	sbarrier.arrive $0xFFFF  }
0x62: {  	p0 =	sne.s32 s0, $0x0;
	_ =	strace $0x90000047  }
0x63: {  	s0 =	sadd.s32 @!p0 $0x100000, s1;
	[bflag:$0x2] =	sbarrier.arrive $0xFFFF  }
0x64: {  	[sflag:s0] =	ssyncadd.tile.s32 @!p0 $0x1;
	_ =	shalt  }
.Lfunc_end2:
_tile_overlayer_lowered:
.L_overlay_start_2:
0x65: {  	(tag) =	ssettag $0x2  }
0x66: {  	s0 =	rddreg [dreg:$0x0];
	s2 =	stileid.u32  }
0x67: {  	s1 =	rddreg [dreg:$0x1];
	p0 =	sne.s32 s2, $0x0  }
0x68: {  	s3 =	rddreg [dreg:$0x2];
	[bflag:$0x3] =	sbarrier.arrive $0xFFFF;
	s2 =	simm.s32 @!p0 $0x1C03  }
0x69: {  	[timem:s3], [sflag:s2] =	dma.local @!p0 [hbm:s0], s1  }
0x6a: {  	s0 =	simm.s32 @!p0 $0x3  }
0x6b: {  	_ =	swait.ge @!p0 [sflag:s0], s1  }
0x6c: {  	s1 =	ssub.s32 @!p0 $0x0, s1;
	[sflag:s0] =	ssyncset.done @!p0 $0x0  }
0x6d: {  	[sflag:s0] =	ssyncadd.s32 @!p0 s1  }
0x6e: {  	[bflag:$0x3] =	sbarrier.arrive $0xFFFF  }
0x6f: {  	_ =	shalt  }

</sc_bundles>
